<compile_context>
chip_gen: v7x
topology: tpu7x:2x2x1
jax: 0.10.2.dev20260603
libtpu: 0.0.44.dev20260713+nightly
codegen_flags: <defaults>
</compile_context>

<pallas_src>
import functools

import jax
import jax.numpy as jnp
from jax import lax
from jax.experimental import pallas as pl
from jax.experimental.pallas import tpu as pltpu
from jax.experimental.pallas import tpu_sc as plsc

_NC = 2
_NS = 16
_LANES = 16
_CHUNK = 128
_FAST_FRAC = 0.5


def _split_chunks(total_chunks):
    per_tile = total_chunks // _NS
    ch0 = int(round(_FAST_FRAC * per_tile / 8.0)) * 8
    ch0 = max(8, min(per_tile - 8, ch0))
    return ch0, per_tile - ch0


def _stages(ch, cap):
    out = []
    off = 0
    while off < ch:
        n = min(cap, ch - off)
        out.append((off, n))
        off += n
    return out


@functools.partial(jax.jit, static_argnames=("n_pad", "n_out", "ch0", "ch1",
                                             "real_chunks", "with_cnt"))
def _sc_aggregate(src2d, dst2d, x, *, n_pad, n_out, ch0, ch1, real_chunks,
                  with_cnt):
    n_nodes, d = x.shape
    assert ch0 % 8 == 0 and ch1 % 8 == 0
    idx_cap = 64
    rpt = n_pad // _NS
    assert rpt % 8 == 0
    nz = (rpt + _CHUNK - 1) // _CHUNK

    mesh = plsc.VectorSubcoreMesh(core_axis_name="c", subcore_axis_name="s")

    out_type = [jax.ShapeDtypeStruct((_NC, n_out, d), jnp.float32)]
    if with_cnt:
        out_type.append(jax.ShapeDtypeStruct((_NC, n_out), jnp.float32))

    @functools.partial(
        pl.kernel,
        out_type=tuple(out_type),
        mesh=mesh,
        scratch_types=[
            pltpu.VMEM((idx_cap, _CHUNK), jnp.int32),
            pltpu.VMEM((idx_cap, _CHUNK), jnp.int32),
            pltpu.VMEM((_CHUNK, d), jnp.float32),
            pltpu.VMEM((_CHUNK, d), jnp.float32),
            pltpu.VMEM((_CHUNK,), jnp.float32),
            pltpu.VMEM_SHARED((n_pad, d), jnp.float32),
            pltpu.VMEM_SHARED((n_pad,), jnp.float32),
            pltpu.SemaphoreType.DMA,
            pltpu.SemaphoreType.DMA,
            pltpu.SemaphoreType.DMA,
        ],
    )
    def agg_kernel(src_hbm, dst_hbm, x_hbm, agg_hbm, *rest):
        if with_cnt:
            cnt_hbm = rest[0]
            rest = rest[1:]
        sidx, didx, rows0, rows1, ones, acc, cacc, gsem, ssem0, ssem1 = rest
        c = lax.axis_index("c")
        s = lax.axis_index("s")

        with jax.named_scope("init_zero"):
            @pl.loop(0, _CHUNK)
            def _(r):
                @pl.loop(0, d, step=_LANES)
                def _(col):
                    rows0[r, pl.ds(col, _LANES)] = jnp.zeros((_LANES,),
                                                             jnp.float32)

            if with_cnt:
                @pl.loop(0, _CHUNK, step=_LANES)
                def _(i):
                    ones[pl.ds(i, _LANES)] = jnp.ones((_LANES,),
                                                      jnp.float32)

            @pl.loop(0, nz)
            def _(j):
                base = jnp.minimum(s * rpt + j * _CHUNK, n_pad - _CHUNK)
                pltpu.sync_copy(rows0, acc.at[pl.ds(base, _CHUNK)])
                if with_cnt:
                    pltpu.sync_copy(rows0.at[0],
                                    cacc.at[pl.ds(base, _CHUNK)])

            plsc.subcore_barrier()

        def fire_gather(t, buf):
            pltpu.async_copy(x_hbm.at[sidx.at[t]], buf, gsem)

        def drain_gather(t, buf):
            pltpu.make_async_copy(x_hbm.at[sidx.at[t]], buf, gsem).wait()

        def fire_scatter(t, buf, sem):
            pltpu.async_copy(buf, acc.at[didx.at[t]], sem, add=True)
            if with_cnt:
                pltpu.async_copy(ones, cacc.at[didx.at[t]], sem, add=True)

        def drain_scatter(t, buf, sem):
            pltpu.make_async_copy(buf, acc.at[didx.at[t]], sem).wait()
            if with_cnt:
                pltpu.make_async_copy(ones, cacc.at[didx.at[t]],
                                      sem).wait()

        def run_stage(chunk_base, n_chunks, limit):
            pltpu.sync_copy(src_hbm.at[pl.ds(chunk_base, n_chunks)],
                            sidx.at[pl.ds(0, n_chunks)])
            pltpu.sync_copy(dst_hbm.at[pl.ds(chunk_base, n_chunks)],
                            didx.at[pl.ds(0, n_chunks)])

            @pl.when(limit > 0)
            def _():
                fire_gather(0, rows0)

            @pl.loop(0, n_chunks, step=2)
            def _(p):
                @pl.when(p < limit)
                def _():
                    drain_gather(p, rows0)
                    fire_scatter(p, rows0, ssem0)

                @pl.when(jnp.logical_and(p > 0, p - 1 < limit))
                def _():
                    drain_scatter(p - 1, rows1, ssem1)

                @pl.when(p + 1 < limit)
                def _():
                    fire_gather(p + 1, rows1)
                    drain_gather(p + 1, rows1)
                    fire_scatter(p + 1, rows1, ssem1)

                @pl.when(p < limit)
                def _():
                    drain_scatter(p, rows0, ssem0)

                @pl.when(jnp.logical_and(p + 2 < n_chunks, p + 2 < limit))
                def _():
                    fire_gather(p + 2, rows0)

            last = n_chunks - 1
            @pl.when(last < limit)
            def _():
                drain_scatter(last, rows1, ssem1)

        with jax.named_scope("edge_loop"):
            @pl.when(c == 0)
            def _():
                for off, cnt_c in _stages(ch0, idx_cap):
                    base = s * ch0 + off
                    run_stage(base, cnt_c, real_chunks - base)

            @pl.when(c == 1)
            def _():
                for off, cnt_c in _stages(ch1, idx_cap):
                    base = _NS * ch0 + s * ch1 + off
                    run_stage(base, cnt_c, real_chunks - base)

        plsc.subcore_barrier()

        with jax.named_scope("writeout"):
            pltpu.sync_copy(acc.at[pl.ds(s * rpt, rpt)],
                            agg_hbm.at[c, pl.ds(s * rpt, rpt)])
            if with_cnt:
                @pl.when(s == 0)
                def _():
                    pltpu.sync_copy(cacc, cnt_hbm.at[c, pl.ds(0, n_pad)])

    return agg_kernel(src2d, dst2d, x)


def _dense_right(x, w_r, b_l, b_r):
    n, d = x.shape

    def body(x_ref, wr_ref, bl_ref, br_ref, o_ref):
        o_ref[...] = (jnp.dot(x_ref[...], wr_ref[...],
                              preferred_element_type=jnp.float32)
                      + bl_ref[...] + br_ref[...])

    return pl.pallas_call(
        body,
        out_shape=jax.ShapeDtypeStruct((n, d), jnp.float32),
    )(x, w_r, b_l, b_r)


def _dense_layer1(agg, cnt, xr, w_l, gamma, beta):
    n, d = xr.shape

    def body(agg_ref, cnt_ref, xr_ref, wl_ref, g_ref, be_ref, h_ref):
        cntv = jnp.maximum(cnt_ref[0, :n] + cnt_ref[1, :n], 1.0)
        mean = (agg_ref[0, :n, :] + agg_ref[1, :n, :]) / cntv[:, None]
        h = (jnp.dot(mean, wl_ref[...], preferred_element_type=jnp.float32)
             + xr_ref[...])
        mu = jnp.mean(h, axis=0, keepdims=True)
        var = jnp.mean((h - mu) * (h - mu), axis=0, keepdims=True)
        hn = (h - mu) * lax.rsqrt(var + 1e-5) * g_ref[...] + be_ref[...]
        h_ref[...] = jax.nn.gelu(hn)

    return pl.pallas_call(
        body,
        out_shape=jax.ShapeDtypeStruct((n, d), jnp.float32),
    )(agg, cnt, xr, w_l, gamma, beta)


def _dense_layer2(agg, cnt, hr, w_l):
    n, d = hr.shape

    def body(agg_ref, cnt_ref, hr_ref, wl_ref, o_ref):
        cntv = jnp.maximum(cnt_ref[0, :n] + cnt_ref[1, :n], 1.0)
        mean = (agg_ref[0, :n, :] + agg_ref[1, :n, :]) / cntv[:, None]
        o_ref[...] = (jnp.dot(mean, wl_ref[...],
                              preferred_element_type=jnp.float32)
                      + hr_ref[...])

    return pl.pallas_call(
        body,
        out_shape=jax.ShapeDtypeStruct((n, d), jnp.float32),
    )(agg, cnt, hr, w_l)


def kernel(x, edge_index, W_l1, b_l1, W_r1, b_r1, gamma1, beta1,
           W_l2, b_l2, W_r2, b_r2):
    n, d = x.shape
    e = edge_index.shape[1]

    n_pad = ((n + 16 + _CHUNK - 1) // _CHUNK) * _CHUNK
    n_out = ((n_pad + _NS * _CHUNK - 1) // (_NS * _CHUNK)) * (_NS * _CHUNK)
    nw = _NC * _NS
    unit = nw * _CHUNK * 8
    e_pad = ((e + unit - 1) // unit) * unit
    ch0, ch1 = _split_chunks(e_pad // _CHUNK)

    src = edge_index[0]
    dst = edge_index[1]
    if e_pad != e:
        pad = e_pad - e
        src = jnp.concatenate([src, jnp.zeros((pad,), jnp.int32)])
        trash = n + jnp.arange(pad, dtype=jnp.int32) % (n_pad - n)
        dst = jnp.concatenate([dst, trash])
    src2d = src.reshape(e_pad // _CHUNK, _CHUNK)
    dst2d = dst.reshape(e_pad // _CHUNK, _CHUNK)

    real_chunks = (e + _CHUNK - 1) // _CHUNK
    agg1, cnt = _sc_aggregate(src2d, dst2d, x, n_pad=n_pad, n_out=n_out,
                              ch0=ch0, ch1=ch1, real_chunks=real_chunks,
                              with_cnt=True)
    xr = _dense_right(x, W_r1, b_l1, b_r1)
    h = _dense_layer1(agg1, cnt, xr, W_l1, gamma1, beta1)
    (agg2,) = _sc_aggregate(src2d, dst2d, h, n_pad=n_pad, n_out=n_out,
                            ch0=ch0, ch1=ch1, real_chunks=real_chunks,
                            with_cnt=False)
    hr = _dense_right(h, W_r2, b_l2, b_r2)
    return _dense_layer2(agg2, cnt, hr, W_l2)

# --- scband reference (transcript-rebuilt; emitter-appended) ---
"""Pipeline reference for scband-graph-sageencoder-57389353009169 (READ-ONLY COPY).

The authoritative reference and input builder live on the scoring server;
editing this copy changes nothing except your own understanding.
"""

import jax, jax.numpy as jnp
import numpy as np

N = 10000
E = 320000
D = 128
H = 128
O = 128


def setup_inputs(seed: int = 0) -> dict:
    key = jax.random.key(seed)
    ks = jax.random.split(key, 14)
    x = jax.random.normal(ks[0], (N, D), dtype=jnp.float32)
    edge_index = jax.random.randint(ks[1], (2, E), 0, N, dtype=jnp.int32)
    s1 = 1.0 / np.sqrt(D)
    s2 = 1.0 / np.sqrt(H)
    W_l1 = jax.random.normal(ks[2], (D, H), dtype=jnp.float32) * s1
    b_l1 = jnp.zeros((H,), dtype=jnp.float32)
    W_r1 = jax.random.normal(ks[3], (D, H), dtype=jnp.float32) * s1
    b_r1 = jnp.zeros((H,), dtype=jnp.float32)
    gamma1 = jnp.ones((H,), dtype=jnp.float32)
    beta1 = jnp.zeros((H,), dtype=jnp.float32)
    W_l2 = jax.random.normal(ks[4], (H, O), dtype=jnp.float32) * s2
    b_l2 = jnp.zeros((O,), dtype=jnp.float32)
    W_r2 = jax.random.normal(ks[5], (H, O), dtype=jnp.float32) * s2
    b_r2 = jnp.zeros((O,), dtype=jnp.float32)
    return {"x": x, "edge_index": edge_index, "W_l1": W_l1, "b_l1": b_l1,
            "W_r1": W_r1, "b_r1": b_r1, "gamma1": gamma1, "beta1": beta1,
            "W_l2": W_l2, "b_l2": b_l2, "W_r2": W_r2, "b_r2": b_r2}


def _sage_conv(x, edge_index, W_l, b_l, W_r, b_r):
    # PyG SAGEConv with aggr='mean': out = lin_l(mean_{j in N(i)} x_j) + lin_r(x_i)
    src = edge_index[0]
    dst = edge_index[1]
    msgs = x[src]  # gather (SparseCore)
    agg = jax.ops.segment_sum(msgs, dst, num_segments=x.shape[0])  # scatter-add
    cnt = jax.ops.segment_sum(jnp.ones((edge_index.shape[1],), dtype=x.dtype), dst,
                              num_segments=x.shape[0])
    mean = agg / jnp.clip(cnt, 1.0, None)[:, None]
    return mean @ W_l + b_l + x @ W_r + b_r


def reference(x, edge_index, W_l1, b_l1, W_r1, b_r1, gamma1, beta1,
              W_l2, b_l2, W_r2, b_r2):
    # layer 1: SAGEConv -> BatchNorm (batch stats, training-mode) -> GELU -> Dropout(identity)
    h = _sage_conv(x, edge_index, W_l1, b_l1, W_r1, b_r1)
    mu = jnp.mean(h, axis=0)
    var = jnp.var(h, axis=0)
    h = (h - mu) / jnp.sqrt(var + 1e-5) * gamma1 + beta1
    h = jax.nn.gelu(h)
    # layer 2 (final): SAGEConv, no activation
    out = _sage_conv(h, edge_index, W_l2, b_l2, W_r2, b_r2)
    return out

if __name__ == "__main__":
    import jax
    _d = setup_inputs()
    print(jax.jit(kernel)(*tuple(_d.values())))

</pallas_src>

<mosaic_0001>
#map = affine_map<(d0, d1) -> (0, 0)>
#map1 = affine_map<(d0, d1) -> (0, 0, 0)>
module attributes {stable_mosaic.version = 14 : i64} {
  func.func @agg_kernel(%arg0: i32, %arg1: i32, %arg2: memref<2560x128xi32, #tpu.memory_space<hbm>>, %arg3: memref<2560x128xi32, #tpu.memory_space<hbm>>, %arg4: memref<10000x128xf32, #tpu.memory_space<hbm>>, %arg5: memref<2x10240x128xf32, #tpu.memory_space<hbm>>, %arg6: memref<2x10240xf32, #tpu.memory_space<hbm>>, %arg7: memref<64x128xi32, #tpu.memory_space<vmem>>, %arg8: memref<64x128xi32, #tpu.memory_space<vmem>>, %arg9: memref<128x128xf32, #tpu.memory_space<vmem>>, %arg10: memref<128x128xf32, #tpu.memory_space<vmem>>, %arg11: memref<128xf32, #tpu.memory_space<vmem>>, %arg12: memref<10112x128xf32, #tpu.memory_space<vmem_shared>>, %arg13: memref<10112xf32, #tpu.memory_space<vmem_shared>>, %arg14: memref<!tpu.dma_semaphore, #tpu.memory_space<semaphore_mem>>, %arg15: memref<!tpu.dma_semaphore, #tpu.memory_space<semaphore_mem>>, %arg16: memref<!tpu.dma_semaphore, #tpu.memory_space<semaphore_mem>>) attributes {dimension_semantics = [#tpu.dimension_semantics<core_parallel>, #tpu.dimension_semantics<subcore_parallel>], iteration_bounds = array<i64: 2, 16>, scalar_prefetch = 0 : i64, scratch_operands = 10 : i64, tpu.core_type = #tpu.core_type<sc_vector_subcore>, window_params = [{transform_indices = #map}, {transform_indices = #map}, {transform_indices = #map}, {transform_indices = #map1}, {transform_indices = #map}]} {
    "tpu.trace_start"() <{level = 10 : i32, message = "init_zero"}> : () -> ()
    %scan3A = arith.constant 0 : i32
    %scan3A_0 = arith.constant 128 : i32
    %scan3A_1 = arith.addi %scan3A, %scan3A_0 : i32
    %scan3A_2 = arith.constant 1 : i32
    scf.for %scan3A_30 = %scan3A to %scan3A_1 step %scan3A_2  : i32 {
      %mul3A_31 = arith.constant 1 : i32
      %mul3A_32 = arith.muli %scan3A_30, %mul3A_31 : i32
      %add3A = arith.constant 0 : i32
      %add3A_33 = arith.addi %add3A, %mul3A_32 : i32
      %scan3A_34 = arith.constant 0 : i32
      %scan3A_35 = arith.constant 8 : i32
      %scan3A_36 = arith.addi %scan3A_34, %scan3A_35 : i32
      %scan3A_37 = arith.constant 1 : i32
      scf.for %scan3A_39 = %scan3A_34 to %scan3A_36 step %scan3A_37  : i32 {
        %mul3A_40 = arith.constant 16 : i32
        %mul3A_41 = arith.muli %scan3A_39, %mul3A_40 : i32
        %add3A_42 = arith.constant 0 : i32
        %add3A_43 = arith.addi %add3A_42, %mul3A_41 : i32
        %broadcast_in_dim3A = arith.constant 0.000000e+00 : f32
        %broadcast_in_dim3A_44 = vector.broadcast %broadcast_in_dim3A : f32 to vector<16xf32>
        %swap3A = arith.index_cast %add3A_33 : i32 to index
        %swap3A_45 = arith.index_cast %add3A_43 : i32 to index
        %swap3A_46 = tpu.vector_load %arg9[%swap3A, %swap3A_45] {strides = array<i32>} : memref<128x128xf32, #tpu.memory_space<vmem>>, vector<1x16xf32>,
        %swap3A_47 = vector.shape_cast %swap3A_46 : vector<1x16xf32> to vector<16xf32>
        %swap3A_48 = vector.shape_cast %broadcast_in_dim3A_44 : vector<16xf32> to vector<1x16xf32>
        tpu.vector_store %arg9[%swap3A, %swap3A_45], %swap3A_48 {strides = array<i32>} : memref<128x128xf32, #tpu.memory_space<vmem>>, vector<1x16xf32>,
      }
      %scan3A_38 = arith.constant 8 : i32
    }
    %scan3A_3 = arith.constant 128 : i32
    %scan3A_4 = arith.constant 0 : i32
    %scan3A_5 = arith.constant 8 : i32
    %scan3A_6 = arith.addi %scan3A_4, %scan3A_5 : i32
    %scan3A_7 = arith.constant 1 : i32
    scf.for %scan3A_30 = %scan3A_4 to %scan3A_6 step %scan3A_7  : i32 {
      %mul3A_31 = arith.constant 16 : i32
      %mul3A_32 = arith.muli %scan3A_30, %mul3A_31 : i32
      %add3A = arith.constant 0 : i32
      %add3A_33 = arith.addi %add3A, %mul3A_32 : i32
      %broadcast_in_dim3A = arith.constant 1.000000e+00 : f32
      %broadcast_in_dim3A_34 = vector.broadcast %broadcast_in_dim3A : f32 to vector<16xf32>
      %swap3A = arith.index_cast %add3A_33 : i32 to index
      %swap3A_35 = tpu.vector_load %arg11[%swap3A] {strides = array<i32>} : memref<128xf32, #tpu.memory_space<vmem>>, vector<16xf32>,
      %swap3A_36 = vector.shape_cast %swap3A_35 : vector<16xf32> to vector<16xf32>
      %swap3A_37 = vector.shape_cast %broadcast_in_dim3A_34 : vector<16xf32> to vector<16xf32>
      tpu.vector_store %arg11[%swap3A], %swap3A_37 {strides = array<i32>} : memref<128xf32, #tpu.memory_space<vmem>>, vector<16xf32>,
    }
    %scan3A_8 = arith.constant 8 : i32
    %scan3A_9 = arith.constant 0 : i32
    %scan3A_10 = arith.constant 5 : i32
    %scan3A_11 = arith.addi %scan3A_9, %scan3A_10 : i32
    %scan3A_12 = arith.constant 1 : i32
    scf.for %scan3A_30 = %scan3A_9 to %scan3A_11 step %scan3A_12  : i32 {
      %mul3A_31 = arith.constant 1 : i32
      %mul3A_32 = arith.muli %scan3A_30, %mul3A_31 : i32
      %add3A = arith.constant 0 : i32
      %add3A_33 = arith.addi %add3A, %mul3A_32 : i32
      %mul3A_34 = arith.constant 632 : i32
      %mul3A_35 = arith.muli %arg1, %mul3A_34 : i32
      %mul3A_36 = arith.constant 128 : i32
      %mul3A_37 = arith.muli %add3A_33, %mul3A_36 : i32
      %add3A_38 = arith.addi %mul3A_35, %mul3A_37 : i32
      %min3A = arith.constant 9984 : i32
      %min3A_39 = arith.minsi %add3A_38, %min3A : i32
      "tpu.region"() ({
        %run_scoped3A_40 = tpu.sem_alloc : memref<!tpu.dma_semaphore, #tpu.memory_space<semaphore_mem>>
        %dma_start3A = arith.constant 0 : i32
        %dma_start3A_41 = tpu.memref_slice %arg12[%min3A_39, %dma_start3A] : memref<10112x128xf32, #tpu.memory_space<vmem_shared>> -> memref<128x128xf32, #tpu.memory_space<vmem_shared>>
        %dma_start3A_42 = arith.constant 0 : i32
        %dma_start3A_43 = tpu.memref_slice %arg12[%min3A_39, %dma_start3A_42] : memref<10112x128xf32, #tpu.memory_space<vmem_shared>> -> memref<128x128xf32, #tpu.memory_space<vmem_shared>>
        tpu.enqueue_dma source(%arg9 : memref<128x128xf32, #tpu.memory_space<vmem>>) target(%dma_start3A_43 : memref<128x128xf32, #tpu.memory_space<vmem_shared>>) target_semaphore(%run_scoped3A_40 : memref<!tpu.dma_semaphore, #tpu.memory_space<semaphore_mem>>)
        %dma_wait3A = arith.constant 0 : i32
        %dma_wait3A_44 = tpu.memref_slice %arg12[%min3A_39, %dma_wait3A] : memref<10112x128xf32, #tpu.memory_space<vmem_shared>> -> memref<128x128xf32, #tpu.memory_space<vmem_shared>>
        %dma_wait3A_45 = arith.constant 0 : i32
        %dma_wait3A_46 = tpu.memref_slice %arg12[%min3A_39, %dma_wait3A_45] : memref<10112x128xf32, #tpu.memory_space<vmem_shared>> -> memref<128x128xf32, #tpu.memory_space<vmem_shared>>
        tpu.wait_dma2 semaphore(%run_scoped3A_40 : memref<!tpu.dma_semaphore, #tpu.memory_space<semaphore_mem>>) src(%arg9 : memref<128x128xf32, #tpu.memory_space<vmem>>) dst(%dma_wait3A_46 : memref<128x128xf32, #tpu.memory_space<vmem_shared>>)
        tpu.yield
      }) : () -> ()
      %run_scoped3A = arith.constant 0 : i32
      "tpu.region"() ({
        %run_scoped3A_40 = tpu.sem_alloc : memref<!tpu.dma_semaphore, #tpu.memory_space<semaphore_mem>>
        %dma_start3A = arith.constant 0 : i32
        %dma_start3A_41 = tpu.memref_slice %arg9[%run_scoped3A, %dma_start3A] : memref<128x128xf32, #tpu.memory_space<vmem>> -> memref<1x128xf32, #tpu.memory_space<vmem>>
        %dma_start3A_42 = tpu.memref_squeeze %dma_start3A_41 : memref<1x128xf32, #tpu.memory_space<vmem>> -> memref<128xf32, #tpu.memory_space<vmem>>
        %dma_start3A_43 = tpu.memref_slice %arg13[%min3A_39] : memref<10112xf32, #tpu.memory_space<vmem_shared>> -> memref<128xf32, #tpu.memory_space<vmem_shared>>
        %dma_start3A_44 = tpu.memref_slice %arg13[%min3A_39] : memref<10112xf32, #tpu.memory_space<vmem_shared>> -> memref<128xf32, #tpu.memory_space<vmem_shared>>
        %dma_start3A_45 = arith.constant 0 : i32
        %dma_start3A_46 = tpu.memref_slice %arg9[%run_scoped3A, %dma_start3A_45] : memref<128x128xf32, #tpu.memory_space<vmem>> -> memref<1x128xf32, #tpu.memory_space<vmem>>
        %dma_start3A_47 = tpu.memref_squeeze %dma_start3A_46 : memref<1x128xf32, #tpu.memory_space<vmem>> -> memref<128xf32, #tpu.memory_space<vmem>>
        tpu.enqueue_dma source(%dma_start3A_47 : memref<128xf32, #tpu.memory_space<vmem>>) target(%dma_start3A_44 : memref<128xf32, #tpu.memory_space<vmem_shared>>) target_semaphore(%run_scoped3A_40 : memref<!tpu.dma_semaphore, #tpu.memory_space<semaphore_mem>>)
        %dma_wait3A = arith.constant 0 : i32
        %dma_wait3A_48 = tpu.memref_slice %arg9[%run_scoped3A, %dma_wait3A] : memref<128x128xf32, #tpu.memory_space<vmem>> -> memref<1x128xf32, #tpu.memory_space<vmem>>
        %dma_wait3A_49 = tpu.memref_squeeze %dma_wait3A_48 : memref<1x128xf32, #tpu.memory_space<vmem>> -> memref<128xf32, #tpu.memory_space<vmem>>
        %dma_wait3A_50 = tpu.memref_slice %arg13[%min3A_39] : memref<10112xf32, #tpu.memory_space<vmem_shared>> -> memref<128xf32, #tpu.memory_space<vmem_shared>>
        %dma_wait3A_51 = tpu.memref_slice %arg13[%min3A_39] : memref<10112xf32, #tpu.memory_space<vmem_shared>> -> memref<128xf32, #tpu.memory_space<vmem_shared>>
        %dma_wait3A_52 = arith.constant 0 : i32
        %dma_wait3A_53 = tpu.memref_slice %arg9[%run_scoped3A, %dma_wait3A_52] : memref<128x128xf32, #tpu.memory_space<vmem>> -> memref<1x128xf32, #tpu.memory_space<vmem>>
        %dma_wait3A_54 = tpu.memref_squeeze %dma_wait3A_53 : memref<1x128xf32, #tpu.memory_space<vmem>> -> memref<128xf32, #tpu.memory_space<vmem>>
        tpu.wait_dma2 semaphore(%run_scoped3A_40 : memref<!tpu.dma_semaphore, #tpu.memory_space<semaphore_mem>>) src(%dma_wait3A_54 : memref<128xf32, #tpu.memory_space<vmem>>) dst(%dma_wait3A_51 : memref<128xf32, #tpu.memory_space<vmem_shared>>)
        tpu.yield
      }) : () -> ()
    }
    %scan3A_13 = arith.constant 5 : i32
    %barrier3A = arith.constant 0 : index
    tpu.barrier barrier_id(%barrier3A)
    %eq3A = arith.constant 0 : i32
    "tpu.trace_stop"() : () -> ()
    "tpu.trace_start"() <{level = 10 : i32, message = "edge_loop"}> : () -> ()
    %eq3A_14 = arith.cmpi eq, %arg0, %eq3A : i32
    %convert_element_type3A = arith.extui %eq3A_14 : i1 to i32
    %cond3A = arith.constant 0 : i32
    %cond3A_15 = arith.cmpi ne, %convert_element_type3A, %cond3A : i32
    scf.if %cond3A_15 {
      %mul3A_30 = arith.constant 80 : i32
      %mul3A_31 = arith.muli %arg1, %mul3A_30 : i32
      %add3A = arith.constant 0 : i32
      %add3A_32 = arith.addi %mul3A_31, %add3A : i32
      %sub3A = arith.constant 2500 : i32
      %sub3A_33 = arith.subi %sub3A, %add3A_32 : i32
      "tpu.region"() ({
        %run_scoped3A = tpu.sem_alloc : memref<!tpu.dma_semaphore, #tpu.memory_space<semaphore_mem>>
        %dma_start3A = arith.constant 0 : i32
        %dma_start3A_69 = arith.constant 0 : i32
        %dma_start3A_70 = tpu.memref_slice %arg7[%dma_start3A, %dma_start3A_69] : memref<64x128xi32, #tpu.memory_space<vmem>> -> memref<64x128xi32, #tpu.memory_space<vmem>>
        %dma_start3A_71 = arith.constant 0 : i32
        %dma_start3A_72 = tpu.memref_slice %arg2[%add3A_32, %dma_start3A_71] : memref<2560x128xi32, #tpu.memory_space<hbm>> -> memref<64x128xi32, #tpu.memory_space<hbm>>
        %dma_start3A_73 = arith.constant 0 : i32
        %dma_start3A_74 = arith.constant 0 : i32
        %dma_start3A_75 = tpu.memref_slice %arg7[%dma_start3A_73, %dma_start3A_74] : memref<64x128xi32, #tpu.memory_space<vmem>> -> memref<64x128xi32, #tpu.memory_space<vmem>>
        %dma_start3A_76 = arith.constant 0 : i32
        %dma_start3A_77 = tpu.memref_slice %arg2[%add3A_32, %dma_start3A_76] : memref<2560x128xi32, #tpu.memory_space<hbm>> -> memref<64x128xi32, #tpu.memory_space<hbm>>
        tpu.enqueue_dma source(%dma_start3A_77 : memref<64x128xi32, #tpu.memory_space<hbm>>) target(%dma_start3A_75 : memref<64x128xi32, #tpu.memory_space<vmem>>) target_semaphore(%run_scoped3A : memref<!tpu.dma_semaphore, #tpu.memory_space<semaphore_mem>>)
        %dma_wait3A = arith.constant 0 : i32
        %dma_wait3A_78 = arith.constant 0 : i32
        %dma_wait3A_79 = tpu.memref_slice %arg7[%dma_wait3A, %dma_wait3A_78] : memref<64x128xi32, #tpu.memory_space<vmem>> -> memref<64x128xi32, #tpu.memory_space<vmem>>
        %dma_wait3A_80 = arith.constant 0 : i32
        %dma_wait3A_81 = tpu.memref_slice %arg2[%add3A_32, %dma_wait3A_80] : memref<2560x128xi32, #tpu.memory_space<hbm>> -> memref<64x128xi32, #tpu.memory_space<hbm>>
        %dma_wait3A_82 = arith.constant 0 : i32
        %dma_wait3A_83 = arith.constant 0 : i32
        %dma_wait3A_84 = tpu.memref_slice %arg7[%dma_wait3A_82, %dma_wait3A_83] : memref<64x128xi32, #tpu.memory_space<vmem>> -> memref<64x128xi32, #tpu.memory_space<vmem>>
        %dma_wait3A_85 = arith.constant 0 : i32
        %dma_wait3A_86 = tpu.memref_slice %arg2[%add3A_32, %dma_wait3A_85] : memref<2560x128xi32, #tpu.memory_space<hbm>> -> memref<64x128xi32, #tpu.memory_space<hbm>>
        tpu.wait_dma2 semaphore(%run_scoped3A : memref<!tpu.dma_semaphore, #tpu.memory_space<semaphore_mem>>) src(%dma_wait3A_86 : memref<64x128xi32, #tpu.memory_space<hbm>>) dst(%dma_wait3A_84 : memref<64x128xi32, #tpu.memory_space<vmem>>)
        tpu.yield
      }) : () -> ()
      "tpu.region"() ({
        %run_scoped3A = tpu.sem_alloc : memref<!tpu.dma_semaphore, #tpu.memory_space<semaphore_mem>>
        %dma_start3A = arith.constant 0 : i32
        %dma_start3A_69 = arith.constant 0 : i32
        %dma_start3A_70 = tpu.memref_slice %arg8[%dma_start3A, %dma_start3A_69] : memref<64x128xi32, #tpu.memory_space<vmem>> -> memref<64x128xi32, #tpu.memory_space<vmem>>
        %dma_start3A_71 = arith.constant 0 : i32
        %dma_start3A_72 = tpu.memref_slice %arg3[%add3A_32, %dma_start3A_71] : memref<2560x128xi32, #tpu.memory_space<hbm>> -> memref<64x128xi32, #tpu.memory_space<hbm>>
        %dma_start3A_73 = arith.constant 0 : i32
        %dma_start3A_74 = arith.constant 0 : i32
        %dma_start3A_75 = tpu.memref_slice %arg8[%dma_start3A_73, %dma_start3A_74] : memref<64x128xi32, #tpu.memory_space<vmem>> -> memref<64x128xi32, #tpu.memory_space<vmem>>
        %dma_start3A_76 = arith.constant 0 : i32
        %dma_start3A_77 = tpu.memref_slice %arg3[%add3A_32, %dma_start3A_76] : memref<2560x128xi32, #tpu.memory_space<hbm>> -> memref<64x128xi32, #tpu.memory_space<hbm>>
        tpu.enqueue_dma source(%dma_start3A_77 : memref<64x128xi32, #tpu.memory_space<hbm>>) target(%dma_start3A_75 : memref<64x128xi32, #tpu.memory_space<vmem>>) target_semaphore(%run_scoped3A : memref<!tpu.dma_semaphore, #tpu.memory_space<semaphore_mem>>)
        %dma_wait3A = arith.constant 0 : i32
        %dma_wait3A_78 = arith.constant 0 : i32
        %dma_wait3A_79 = tpu.memref_slice %arg8[%dma_wait3A, %dma_wait3A_78] : memref<64x128xi32, #tpu.memory_space<vmem>> -> memref<64x128xi32, #tpu.memory_space<vmem>>
        %dma_wait3A_80 = arith.constant 0 : i32
        %dma_wait3A_81 = tpu.memref_slice %arg3[%add3A_32, %dma_wait3A_80] : memref<2560x128xi32, #tpu.memory_space<hbm>> -> memref<64x128xi32, #tpu.memory_space<hbm>>
        %dma_wait3A_82 = arith.constant 0 : i32
        %dma_wait3A_83 = arith.constant 0 : i32
        %dma_wait3A_84 = tpu.memref_slice %arg8[%dma_wait3A_82, %dma_wait3A_83] : memref<64x128xi32, #tpu.memory_space<vmem>> -> memref<64x128xi32, #tpu.memory_space<vmem>>
        %dma_wait3A_85 = arith.constant 0 : i32
        %dma_wait3A_86 = tpu.memref_slice %arg3[%add3A_32, %dma_wait3A_85] : memref<2560x128xi32, #tpu.memory_space<hbm>> -> memref<64x128xi32, #tpu.memory_space<hbm>>
        tpu.wait_dma2 semaphore(%run_scoped3A : memref<!tpu.dma_semaphore, #tpu.memory_space<semaphore_mem>>) src(%dma_wait3A_86 : memref<64x128xi32, #tpu.memory_space<hbm>>) dst(%dma_wait3A_84 : memref<64x128xi32, #tpu.memory_space<vmem>>)
        tpu.yield
      }) : () -> ()
      %gt3A = arith.constant 0 : i32
      %gt3A_34 = arith.cmpi sgt, %sub3A_33, %gt3A : i32
      %convert_element_type3A_35 = arith.extui %gt3A_34 : i1 to i32
      %cond3A_36 = arith.constant 0 : i32
      %cond3A_37 = arith.cmpi ne, %convert_element_type3A_35, %cond3A_36 : i32
      scf.if %cond3A_37 {
        %dma_start3A = arith.constant 0 : i32
        %dma_start3A_69 = arith.constant 0 : i32
        %dma_start3A_70 = tpu.memref_slice %arg7[%dma_start3A, %dma_start3A_69] : memref<64x128xi32, #tpu.memory_space<vmem>> -> memref<1x128xi32, #tpu.memory_space<vmem>>
        %dma_start3A_71 = tpu.memref_squeeze %dma_start3A_70 : memref<1x128xi32, #tpu.memory_space<vmem>> -> memref<128xi32, #tpu.memory_space<vmem>>
        %dma_start3A_72 = arith.constant 0 : i32
        %dma_start3A_73 = arith.constant 0 : i32
        %dma_start3A_74 = tpu.memref_slice %arg4[%dma_start3A_72, %dma_start3A_73] : memref<10000x128xf32, #tpu.memory_space<hbm>> -> memref<10000x128xf32, #tpu.memory_space<hbm>>
        tpu.enqueue_indirect_dma source(%dma_start3A_74 : memref<10000x128xf32, #tpu.memory_space<hbm>>) target(%arg9 : memref<128x128xf32, #tpu.memory_space<vmem>>) offsets(%dma_start3A_71 : memref<128xi32, #tpu.memory_space<vmem>>) semaphore(%arg14 : memref<!tpu.dma_semaphore, #tpu.memory_space<semaphore_mem>>)
      } else {
      }
      %scan3A_38 = arith.constant 0 : i32
      %scan3A_39 = arith.constant 32 : i32
      %scan3A_40 = arith.addi %scan3A_38, %scan3A_39 : i32
      %scan3A_41 = arith.constant 1 : i32
      scf.for %scan3A_69 = %scan3A_38 to %scan3A_40 step %scan3A_41  : i32 {
        %mul3A_70 = arith.constant 2 : i32
        %mul3A_71 = arith.muli %scan3A_69, %mul3A_70 : i32
        %add3A_72 = arith.constant 0 : i32
        %add3A_73 = arith.addi %add3A_72, %mul3A_71 : i32
        %lt3A = arith.cmpi slt, %add3A_73, %sub3A_33 : i32
        %convert_element_type3A_74 = arith.extui %lt3A : i1 to i32
        %cond3A_75 = arith.constant 0 : i32
        %cond3A_76 = arith.cmpi ne, %convert_element_type3A_74, %cond3A_75 : i32
        scf.if %cond3A_76 {
          %dma_wait3A = arith.constant 0 : i32
          %dma_wait3A_106 = tpu.memref_slice %arg7[%add3A_73, %dma_wait3A] : memref<64x128xi32, #tpu.memory_space<vmem>> -> memref<1x128xi32, #tpu.memory_space<vmem>>
          %dma_wait3A_107 = tpu.memref_squeeze %dma_wait3A_106 : memref<1x128xi32, #tpu.memory_space<vmem>> -> memref<128xi32, #tpu.memory_space<vmem>>
          %dma_wait3A_108 = arith.constant 0 : i32
          %dma_wait3A_109 = arith.constant 0 : i32
          %dma_wait3A_110 = tpu.memref_slice %arg4[%dma_wait3A_108, %dma_wait3A_109] : memref<10000x128xf32, #tpu.memory_space<hbm>> -> memref<10000x128xf32, #tpu.memory_space<hbm>>
          tpu.wait_indirect_dma semaphore(%arg14 : memref<!tpu.dma_semaphore, #tpu.memory_space<semaphore_mem>>) src(%dma_wait3A_110 : memref<10000x128xf32, #tpu.memory_space<hbm>>) dst(%arg9 : memref<128x128xf32, #tpu.memory_space<vmem>>)
          %dma_start3A = arith.constant 0 : i32
          %dma_start3A_111 = tpu.memref_slice %arg8[%add3A_73, %dma_start3A] : memref<64x128xi32, #tpu.memory_space<vmem>> -> memref<1x128xi32, #tpu.memory_space<vmem>>
          %dma_start3A_112 = tpu.memref_squeeze %dma_start3A_111 : memref<1x128xi32, #tpu.memory_space<vmem>> -> memref<128xi32, #tpu.memory_space<vmem>>
          %dma_start3A_113 = arith.constant 0 : i32
          %dma_start3A_114 = arith.constant 0 : i32
          %dma_start3A_115 = tpu.memref_slice %arg12[%dma_start3A_113, %dma_start3A_114] : memref<10112x128xf32, #tpu.memory_space<vmem_shared>> -> memref<10112x128xf32, #tpu.memory_space<vmem_shared>>
          tpu.enqueue_indirect_dma source(%arg9 : memref<128x128xf32, #tpu.memory_space<vmem>>) target(%dma_start3A_115 : memref<10112x128xf32, #tpu.memory_space<vmem_shared>>) offsets(%dma_start3A_112 : memref<128xi32, #tpu.memory_space<vmem>>) semaphore(%arg15 : memref<!tpu.dma_semaphore, #tpu.memory_space<semaphore_mem>>) {add = true}
          %dma_start3A_116 = arith.constant 0 : i32
          %dma_start3A_117 = tpu.memref_slice %arg8[%add3A_73, %dma_start3A_116] : memref<64x128xi32, #tpu.memory_space<vmem>> -> memref<1x128xi32, #tpu.memory_space<vmem>>
          %dma_start3A_118 = tpu.memref_squeeze %dma_start3A_117 : memref<1x128xi32, #tpu.memory_space<vmem>> -> memref<128xi32, #tpu.memory_space<vmem>>
          %dma_start3A_119 = arith.constant 0 : i32
          %dma_start3A_120 = tpu.memref_slice %arg13[%dma_start3A_119] : memref<10112xf32, #tpu.memory_space<vmem_shared>> -> memref<10112xf32, #tpu.memory_space<vmem_shared>>
          tpu.enqueue_indirect_dma source(%arg11 : memref<128xf32, #tpu.memory_space<vmem>>) target(%dma_start3A_120 : memref<10112xf32, #tpu.memory_space<vmem_shared>>) offsets(%dma_start3A_118 : memref<128xi32, #tpu.memory_space<vmem>>) semaphore(%arg15 : memref<!tpu.dma_semaphore, #tpu.memory_space<semaphore_mem>>) {add = true}
        } else {
        }
        %gt3A_77 = arith.constant 0 : i32
        %gt3A_78 = arith.cmpi sgt, %add3A_73, %gt3A_77 : i32
        %sub3A_79 = arith.constant 1 : i32
        %sub3A_80 = arith.subi %add3A_73, %sub3A_79 : i32
        %lt3A_81 = arith.cmpi slt, %sub3A_80, %sub3A_33 : i32
        %and3A = arith.andi %gt3A_78, %lt3A_81 : i1
        %convert_element_type3A_82 = arith.extui %and3A : i1 to i32
        %cond3A_83 = arith.constant 0 : i32
        %cond3A_84 = arith.cmpi ne, %convert_element_type3A_82, %cond3A_83 : i32
        scf.if %cond3A_84 {
          %sub3A_106 = arith.constant 1 : i32
          %sub3A_107 = arith.subi %add3A_73, %sub3A_106 : i32
          %dma_wait3A = arith.constant 0 : i32
          %dma_wait3A_108 = tpu.memref_slice %arg8[%sub3A_107, %dma_wait3A] : memref<64x128xi32, #tpu.memory_space<vmem>> -> memref<1x128xi32, #tpu.memory_space<vmem>>
          %dma_wait3A_109 = tpu.memref_squeeze %dma_wait3A_108 : memref<1x128xi32, #tpu.memory_space<vmem>> -> memref<128xi32, #tpu.memory_space<vmem>>
          %dma_wait3A_110 = arith.constant 0 : i32
          %dma_wait3A_111 = arith.constant 0 : i32
          %dma_wait3A_112 = tpu.memref_slice %arg12[%dma_wait3A_110, %dma_wait3A_111] : memref<10112x128xf32, #tpu.memory_space<vmem_shared>> -> memref<10112x128xf32, #tpu.memory_space<vmem_shared>>
          tpu.wait_indirect_dma semaphore(%arg16 : memref<!tpu.dma_semaphore, #tpu.memory_space<semaphore_mem>>) src(%arg10 : memref<128x128xf32, #tpu.memory_space<vmem>>) dst(%dma_wait3A_112 : memref<10112x128xf32, #tpu.memory_space<vmem_shared>>)
          %dma_wait3A_113 = arith.constant 0 : i32
          %dma_wait3A_114 = tpu.memref_slice %arg8[%sub3A_107, %dma_wait3A_113] : memref<64x128xi32, #tpu.memory_space<vmem>> -> memref<1x128xi32, #tpu.memory_space<vmem>>
          %dma_wait3A_115 = tpu.memref_squeeze %dma_wait3A_114 : memref<1x128xi32, #tpu.memory_space<vmem>> -> memref<128xi32, #tpu.memory_space<vmem>>
          %dma_wait3A_116 = arith.constant 0 : i32
          %dma_wait3A_117 = tpu.memref_slice %arg13[%dma_wait3A_116] : memref<10112xf32, #tpu.memory_space<vmem_shared>> -> memref<10112xf32, #tpu.memory_space<vmem_shared>>
          tpu.wait_indirect_dma semaphore(%arg16 : memref<!tpu.dma_semaphore, #tpu.memory_space<semaphore_mem>>) src(%arg11 : memref<128xf32, #tpu.memory_space<vmem>>) dst(%dma_wait3A_117 : memref<10112xf32, #tpu.memory_space<vmem_shared>>)
        } else {
        }
        %add3A_85 = arith.constant 1 : i32
        %add3A_86 = arith.addi %add3A_73, %add3A_85 : i32
        %lt3A_87 = arith.cmpi slt, %add3A_86, %sub3A_33 : i32
        %convert_element_type3A_88 = arith.extui %lt3A_87 : i1 to i32
        %cond3A_89 = arith.constant 0 : i32
        %cond3A_90 = arith.cmpi ne, %convert_element_type3A_88, %cond3A_89 : i32
        scf.if %cond3A_90 {
          %add3A_106 = arith.constant 1 : i32
          %add3A_107 = arith.addi %add3A_73, %add3A_106 : i32
          %dma_start3A = arith.constant 0 : i32
          %dma_start3A_108 = tpu.memref_slice %arg7[%add3A_107, %dma_start3A] : memref<64x128xi32, #tpu.memory_space<vmem>> -> memref<1x128xi32, #tpu.memory_space<vmem>>
          %dma_start3A_109 = tpu.memref_squeeze %dma_start3A_108 : memref<1x128xi32, #tpu.memory_space<vmem>> -> memref<128xi32, #tpu.memory_space<vmem>>
          %dma_start3A_110 = arith.constant 0 : i32
          %dma_start3A_111 = arith.constant 0 : i32
          %dma_start3A_112 = tpu.memref_slice %arg4[%dma_start3A_110, %dma_start3A_111] : memref<10000x128xf32, #tpu.memory_space<hbm>> -> memref<10000x128xf32, #tpu.memory_space<hbm>>
          tpu.enqueue_indirect_dma source(%dma_start3A_112 : memref<10000x128xf32, #tpu.memory_space<hbm>>) target(%arg10 : memref<128x128xf32, #tpu.memory_space<vmem>>) offsets(%dma_start3A_109 : memref<128xi32, #tpu.memory_space<vmem>>) semaphore(%arg14 : memref<!tpu.dma_semaphore, #tpu.memory_space<semaphore_mem>>)
          %add3A_113 = arith.constant 1 : i32
          %add3A_114 = arith.addi %add3A_73, %add3A_113 : i32
          %dma_wait3A = arith.constant 0 : i32
          %dma_wait3A_115 = tpu.memref_slice %arg7[%add3A_114, %dma_wait3A] : memref<64x128xi32, #tpu.memory_space<vmem>> -> memref<1x128xi32, #tpu.memory_space<vmem>>
          %dma_wait3A_116 = tpu.memref_squeeze %dma_wait3A_115 : memref<1x128xi32, #tpu.memory_space<vmem>> -> memref<128xi32, #tpu.memory_space<vmem>>
          %dma_wait3A_117 = arith.constant 0 : i32
          %dma_wait3A_118 = arith.constant 0 : i32
          %dma_wait3A_119 = tpu.memref_slice %arg4[%dma_wait3A_117, %dma_wait3A_118] : memref<10000x128xf32, #tpu.memory_space<hbm>> -> memref<10000x128xf32, #tpu.memory_space<hbm>>
          tpu.wait_indirect_dma semaphore(%arg14 : memref<!tpu.dma_semaphore, #tpu.memory_space<semaphore_mem>>) src(%dma_wait3A_119 : memref<10000x128xf32, #tpu.memory_space<hbm>>) dst(%arg10 : memref<128x128xf32, #tpu.memory_space<vmem>>)
          %add3A_120 = arith.constant 1 : i32
          %add3A_121 = arith.addi %add3A_73, %add3A_120 : i32
          %dma_start3A_122 = arith.constant 0 : i32
          %dma_start3A_123 = tpu.memref_slice %arg8[%add3A_121, %dma_start3A_122] : memref<64x128xi32, #tpu.memory_space<vmem>> -> memref<1x128xi32, #tpu.memory_space<vmem>>
          %dma_start3A_124 = tpu.memref_squeeze %dma_start3A_123 : memref<1x128xi32, #tpu.memory_space<vmem>> -> memref<128xi32, #tpu.memory_space<vmem>>
          %dma_start3A_125 = arith.constant 0 : i32
          %dma_start3A_126 = arith.constant 0 : i32
          %dma_start3A_127 = tpu.memref_slice %arg12[%dma_start3A_125, %dma_start3A_126] : memref<10112x128xf32, #tpu.memory_space<vmem_shared>> -> memref<10112x128xf32, #tpu.memory_space<vmem_shared>>
          tpu.enqueue_indirect_dma source(%arg10 : memref<128x128xf32, #tpu.memory_space<vmem>>) target(%dma_start3A_127 : memref<10112x128xf32, #tpu.memory_space<vmem_shared>>) offsets(%dma_start3A_124 : memref<128xi32, #tpu.memory_space<vmem>>) semaphore(%arg16 : memref<!tpu.dma_semaphore, #tpu.memory_space<semaphore_mem>>) {add = true}
          %dma_start3A_128 = arith.constant 0 : i32
          %dma_start3A_129 = tpu.memref_slice %arg8[%add3A_121, %dma_start3A_128] : memref<64x128xi32, #tpu.memory_space<vmem>> -> memref<1x128xi32, #tpu.memory_space<vmem>>
          %dma_start3A_130 = tpu.memref_squeeze %dma_start3A_129 : memref<1x128xi32, #tpu.memory_space<vmem>> -> memref<128xi32, #tpu.memory_space<vmem>>
          %dma_start3A_131 = arith.constant 0 : i32
          %dma_start3A_132 = tpu.memref_slice %arg13[%dma_start3A_131] : memref<10112xf32, #tpu.memory_space<vmem_shared>> -> memref<10112xf32, #tpu.memory_space<vmem_shared>>
          tpu.enqueue_indirect_dma source(%arg11 : memref<128xf32, #tpu.memory_space<vmem>>) target(%dma_start3A_132 : memref<10112xf32, #tpu.memory_space<vmem_shared>>) offsets(%dma_start3A_130 : memref<128xi32, #tpu.memory_space<vmem>>) semaphore(%arg16 : memref<!tpu.dma_semaphore, #tpu.memory_space<semaphore_mem>>) {add = true}
        } else {
        }
        %lt3A_91 = arith.cmpi slt, %add3A_73, %sub3A_33 : i32
        %convert_element_type3A_92 = arith.extui %lt3A_91 : i1 to i32
        %cond3A_93 = arith.constant 0 : i32
        %cond3A_94 = arith.cmpi ne, %convert_element_type3A_92, %cond3A_93 : i32
        scf.if %cond3A_94 {
          %dma_wait3A = arith.constant 0 : i32
          %dma_wait3A_106 = tpu.memref_slice %arg8[%add3A_73, %dma_wait3A] : memref<64x128xi32, #tpu.memory_space<vmem>> -> memref<1x128xi32, #tpu.memory_space<vmem>>
          %dma_wait3A_107 = tpu.memref_squeeze %dma_wait3A_106 : memref<1x128xi32, #tpu.memory_space<vmem>> -> memref<128xi32, #tpu.memory_space<vmem>>
          %dma_wait3A_108 = arith.constant 0 : i32
          %dma_wait3A_109 = arith.constant 0 : i32
          %dma_wait3A_110 = tpu.memref_slice %arg12[%dma_wait3A_108, %dma_wait3A_109] : memref<10112x128xf32, #tpu.memory_space<vmem_shared>> -> memref<10112x128xf32, #tpu.memory_space<vmem_shared>>
          tpu.wait_indirect_dma semaphore(%arg15 : memref<!tpu.dma_semaphore, #tpu.memory_space<semaphore_mem>>) src(%arg9 : memref<128x128xf32, #tpu.memory_space<vmem>>) dst(%dma_wait3A_110 : memref<10112x128xf32, #tpu.memory_space<vmem_shared>>)
          %dma_wait3A_111 = arith.constant 0 : i32
          %dma_wait3A_112 = tpu.memref_slice %arg8[%add3A_73, %dma_wait3A_111] : memref<64x128xi32, #tpu.memory_space<vmem>> -> memref<1x128xi32, #tpu.memory_space<vmem>>
          %dma_wait3A_113 = tpu.memref_squeeze %dma_wait3A_112 : memref<1x128xi32, #tpu.memory_space<vmem>> -> memref<128xi32, #tpu.memory_space<vmem>>
          %dma_wait3A_114 = arith.constant 0 : i32
          %dma_wait3A_115 = tpu.memref_slice %arg13[%dma_wait3A_114] : memref<10112xf32, #tpu.memory_space<vmem_shared>> -> memref<10112xf32, #tpu.memory_space<vmem_shared>>
          tpu.wait_indirect_dma semaphore(%arg15 : memref<!tpu.dma_semaphore, #tpu.memory_space<semaphore_mem>>) src(%arg11 : memref<128xf32, #tpu.memory_space<vmem>>) dst(%dma_wait3A_115 : memref<10112xf32, #tpu.memory_space<vmem_shared>>)
        } else {
        }
        %add3A_95 = arith.constant 2 : i32
        %add3A_96 = arith.addi %add3A_73, %add3A_95 : i32
        %lt3A_97 = arith.constant 64 : i32
        %lt3A_98 = arith.cmpi slt, %add3A_96, %lt3A_97 : i32
        %add3A_99 = arith.constant 2 : i32
        %add3A_100 = arith.addi %add3A_73, %add3A_99 : i32
        %lt3A_101 = arith.cmpi slt, %add3A_100, %sub3A_33 : i32
        %and3A_102 = arith.andi %lt3A_98, %lt3A_101 : i1
        %convert_element_type3A_103 = arith.extui %and3A_102 : i1 to i32
        %cond3A_104 = arith.constant 0 : i32
        %cond3A_105 = arith.cmpi ne, %convert_element_type3A_103, %cond3A_104 : i32
        scf.if %cond3A_105 {
          %add3A_106 = arith.constant 2 : i32
          %add3A_107 = arith.addi %add3A_73, %add3A_106 : i32
          %dma_start3A = arith.constant 0 : i32
          %dma_start3A_108 = tpu.memref_slice %arg7[%add3A_107, %dma_start3A] : memref<64x128xi32, #tpu.memory_space<vmem>> -> memref<1x128xi32, #tpu.memory_space<vmem>>
          %dma_start3A_109 = tpu.memref_squeeze %dma_start3A_108 : memref<1x128xi32, #tpu.memory_space<vmem>> -> memref<128xi32, #tpu.memory_space<vmem>>
          %dma_start3A_110 = arith.constant 0 : i32
          %dma_start3A_111 = arith.constant 0 : i32
          %dma_start3A_112 = tpu.memref_slice %arg4[%dma_start3A_110, %dma_start3A_111] : memref<10000x128xf32, #tpu.memory_space<hbm>> -> memref<10000x128xf32, #tpu.memory_space<hbm>>
          tpu.enqueue_indirect_dma source(%dma_start3A_112 : memref<10000x128xf32, #tpu.memory_space<hbm>>) target(%arg9 : memref<128x128xf32, #tpu.memory_space<vmem>>) offsets(%dma_start3A_109 : memref<128xi32, #tpu.memory_space<vmem>>) semaphore(%arg14 : memref<!tpu.dma_semaphore, #tpu.memory_space<semaphore_mem>>)
        } else {
        }
      }
      %scan3A_42 = arith.constant 32 : i32
      %gt3A_43 = arith.constant 63 : i32
      %gt3A_44 = arith.cmpi sgt, %sub3A_33, %gt3A_43 : i32
      %convert_element_type3A_45 = arith.extui %gt3A_44 : i1 to i32
      %cond3A_46 = arith.constant 0 : i32
      %cond3A_47 = arith.cmpi ne, %convert_element_type3A_45, %cond3A_46 : i32
      scf.if %cond3A_47 {
        %dma_wait3A = arith.constant 63 : i32
        %dma_wait3A_69 = arith.constant 0 : i32
        %dma_wait3A_70 = tpu.memref_slice %arg8[%dma_wait3A, %dma_wait3A_69] : memref<64x128xi32, #tpu.memory_space<vmem>> -> memref<1x128xi32, #tpu.memory_space<vmem>>
        %dma_wait3A_71 = tpu.memref_squeeze %dma_wait3A_70 : memref<1x128xi32, #tpu.memory_space<vmem>> -> memref<128xi32, #tpu.memory_space<vmem>>
        %dma_wait3A_72 = arith.constant 0 : i32
        %dma_wait3A_73 = arith.constant 0 : i32
        %dma_wait3A_74 = tpu.memref_slice %arg12[%dma_wait3A_72, %dma_wait3A_73] : memref<10112x128xf32, #tpu.memory_space<vmem_shared>> -> memref<10112x128xf32, #tpu.memory_space<vmem_shared>>
        tpu.wait_indirect_dma semaphore(%arg16 : memref<!tpu.dma_semaphore, #tpu.memory_space<semaphore_mem>>) src(%arg10 : memref<128x128xf32, #tpu.memory_space<vmem>>) dst(%dma_wait3A_74 : memref<10112x128xf32, #tpu.memory_space<vmem_shared>>)
        %dma_wait3A_75 = arith.constant 63 : i32
        %dma_wait3A_76 = arith.constant 0 : i32
        %dma_wait3A_77 = tpu.memref_slice %arg8[%dma_wait3A_75, %dma_wait3A_76] : memref<64x128xi32, #tpu.memory_space<vmem>> -> memref<1x128xi32, #tpu.memory_space<vmem>>
        %dma_wait3A_78 = tpu.memref_squeeze %dma_wait3A_77 : memref<1x128xi32, #tpu.memory_space<vmem>> -> memref<128xi32, #tpu.memory_space<vmem>>
        %dma_wait3A_79 = arith.constant 0 : i32
        %dma_wait3A_80 = tpu.memref_slice %arg13[%dma_wait3A_79] : memref<10112xf32, #tpu.memory_space<vmem_shared>> -> memref<10112xf32, #tpu.memory_space<vmem_shared>>
        tpu.wait_indirect_dma semaphore(%arg16 : memref<!tpu.dma_semaphore, #tpu.memory_space<semaphore_mem>>) src(%arg11 : memref<128xf32, #tpu.memory_space<vmem>>) dst(%dma_wait3A_80 : memref<10112xf32, #tpu.memory_space<vmem_shared>>)
      } else {
      }
      %mul3A_48 = arith.constant 80 : i32
      %mul3A_49 = arith.muli %arg1, %mul3A_48 : i32
      %add3A_50 = arith.constant 64 : i32
      %add3A_51 = arith.addi %mul3A_49, %add3A_50 : i32
      %sub3A_52 = arith.constant 2500 : i32
      %sub3A_53 = arith.subi %sub3A_52, %add3A_51 : i32
      "tpu.region"() ({
        %run_scoped3A = tpu.sem_alloc : memref<!tpu.dma_semaphore, #tpu.memory_space<semaphore_mem>>
        %dma_start3A = arith.constant 0 : i32
        %dma_start3A_69 = arith.constant 0 : i32
        %dma_start3A_70 = tpu.memref_slice %arg7[%dma_start3A, %dma_start3A_69] : memref<64x128xi32, #tpu.memory_space<vmem>> -> memref<16x128xi32, #tpu.memory_space<vmem>>
        %dma_start3A_71 = arith.constant 0 : i32
        %dma_start3A_72 = tpu.memref_slice %arg2[%add3A_51, %dma_start3A_71] : memref<2560x128xi32, #tpu.memory_space<hbm>> -> memref<16x128xi32, #tpu.memory_space<hbm>>
        %dma_start3A_73 = arith.constant 0 : i32
        %dma_start3A_74 = arith.constant 0 : i32
        %dma_start3A_75 = tpu.memref_slice %arg7[%dma_start3A_73, %dma_start3A_74] : memref<64x128xi32, #tpu.memory_space<vmem>> -> memref<16x128xi32, #tpu.memory_space<vmem>>
        %dma_start3A_76 = arith.constant 0 : i32
        %dma_start3A_77 = tpu.memref_slice %arg2[%add3A_51, %dma_start3A_76] : memref<2560x128xi32, #tpu.memory_space<hbm>> -> memref<16x128xi32, #tpu.memory_space<hbm>>
        tpu.enqueue_dma source(%dma_start3A_77 : memref<16x128xi32, #tpu.memory_space<hbm>>) target(%dma_start3A_75 : memref<16x128xi32, #tpu.memory_space<vmem>>) target_semaphore(%run_scoped3A : memref<!tpu.dma_semaphore, #tpu.memory_space<semaphore_mem>>)
        %dma_wait3A = arith.constant 0 : i32
        %dma_wait3A_78 = arith.constant 0 : i32
        %dma_wait3A_79 = tpu.memref_slice %arg7[%dma_wait3A, %dma_wait3A_78] : memref<64x128xi32, #tpu.memory_space<vmem>> -> memref<16x128xi32, #tpu.memory_space<vmem>>
        %dma_wait3A_80 = arith.constant 0 : i32
        %dma_wait3A_81 = tpu.memref_slice %arg2[%add3A_51, %dma_wait3A_80] : memref<2560x128xi32, #tpu.memory_space<hbm>> -> memref<16x128xi32, #tpu.memory_space<hbm>>
        %dma_wait3A_82 = arith.constant 0 : i32
        %dma_wait3A_83 = arith.constant 0 : i32
        %dma_wait3A_84 = tpu.memref_slice %arg7[%dma_wait3A_82, %dma_wait3A_83] : memref<64x128xi32, #tpu.memory_space<vmem>> -> memref<16x128xi32, #tpu.memory_space<vmem>>
        %dma_wait3A_85 = arith.constant 0 : i32
        %dma_wait3A_86 = tpu.memref_slice %arg2[%add3A_51, %dma_wait3A_85] : memref<2560x128xi32, #tpu.memory_space<hbm>> -> memref<16x128xi32, #tpu.memory_space<hbm>>
        tpu.wait_dma2 semaphore(%run_scoped3A : memref<!tpu.dma_semaphore, #tpu.memory_space<semaphore_mem>>) src(%dma_wait3A_86 : memref<16x128xi32, #tpu.memory_space<hbm>>) dst(%dma_wait3A_84 : memref<16x128xi32, #tpu.memory_space<vmem>>)
        tpu.yield
      }) : () -> ()
      "tpu.region"() ({
        %run_scoped3A = tpu.sem_alloc : memref<!tpu.dma_semaphore, #tpu.memory_space<semaphore_mem>>
        %dma_start3A = arith.constant 0 : i32
        %dma_start3A_69 = arith.constant 0 : i32
        %dma_start3A_70 = tpu.memref_slice %arg8[%dma_start3A, %dma_start3A_69] : memref<64x128xi32, #tpu.memory_space<vmem>> -> memref<16x128xi32, #tpu.memory_space<vmem>>
        %dma_start3A_71 = arith.constant 0 : i32
        %dma_start3A_72 = tpu.memref_slice %arg3[%add3A_51, %dma_start3A_71] : memref<2560x128xi32, #tpu.memory_space<hbm>> -> memref<16x128xi32, #tpu.memory_space<hbm>>
        %dma_start3A_73 = arith.constant 0 : i32
        %dma_start3A_74 = arith.constant 0 : i32
        %dma_start3A_75 = tpu.memref_slice %arg8[%dma_start3A_73, %dma_start3A_74] : memref<64x128xi32, #tpu.memory_space<vmem>> -> memref<16x128xi32, #tpu.memory_space<vmem>>
        %dma_start3A_76 = arith.constant 0 : i32
        %dma_start3A_77 = tpu.memref_slice %arg3[%add3A_51, %dma_start3A_76] : memref<2560x128xi32, #tpu.memory_space<hbm>> -> memref<16x128xi32, #tpu.memory_space<hbm>>
        tpu.enqueue_dma source(%dma_start3A_77 : memref<16x128xi32, #tpu.memory_space<hbm>>) target(%dma_start3A_75 : memref<16x128xi32, #tpu.memory_space<vmem>>) target_semaphore(%run_scoped3A : memref<!tpu.dma_semaphore, #tpu.memory_space<semaphore_mem>>)
        %dma_wait3A = arith.constant 0 : i32
        %dma_wait3A_78 = arith.constant 0 : i32
        %dma_wait3A_79 = tpu.memref_slice %arg8[%dma_wait3A, %dma_wait3A_78] : memref<64x128xi32, #tpu.memory_space<vmem>> -> memref<16x128xi32, #tpu.memory_space<vmem>>
        %dma_wait3A_80 = arith.constant 0 : i32
        %dma_wait3A_81 = tpu.memref_slice %arg3[%add3A_51, %dma_wait3A_80] : memref<2560x128xi32, #tpu.memory_space<hbm>> -> memref<16x128xi32, #tpu.memory_space<hbm>>
        %dma_wait3A_82 = arith.constant 0 : i32
        %dma_wait3A_83 = arith.constant 0 : i32
        %dma_wait3A_84 = tpu.memref_slice %arg8[%dma_wait3A_82, %dma_wait3A_83] : memref<64x128xi32, #tpu.memory_space<vmem>> -> memref<16x128xi32, #tpu.memory_space<vmem>>
        %dma_wait3A_85 = arith.constant 0 : i32
        %dma_wait3A_86 = tpu.memref_slice %arg3[%add3A_51, %dma_wait3A_85] : memref<2560x128xi32, #tpu.memory_space<hbm>> -> memref<16x128xi32, #tpu.memory_space<hbm>>
        tpu.wait_dma2 semaphore(%run_scoped3A : memref<!tpu.dma_semaphore, #tpu.memory_space<semaphore_mem>>) src(%dma_wait3A_86 : memref<16x128xi32, #tpu.memory_space<hbm>>) dst(%dma_wait3A_84 : memref<16x128xi32, #tpu.memory_space<vmem>>)
        tpu.yield
      }) : () -> ()
      %gt3A_54 = arith.constant 0 : i32
      %gt3A_55 = arith.cmpi sgt, %sub3A_53, %gt3A_54 : i32
      %convert_element_type3A_56 = arith.extui %gt3A_55 : i1 to i32
      %cond3A_57 = arith.constant 0 : i32
      %cond3A_58 = arith.cmpi ne, %convert_element_type3A_56, %cond3A_57 : i32
      scf.if %cond3A_58 {
        %dma_start3A = arith.constant 0 : i32
        %dma_start3A_69 = arith.constant 0 : i32
        %dma_start3A_70 = tpu.memref_slice %arg7[%dma_start3A, %dma_start3A_69] : memref<64x128xi32, #tpu.memory_space<vmem>> -> memref<1x128xi32, #tpu.memory_space<vmem>>
        %dma_start3A_71 = tpu.memref_squeeze %dma_start3A_70 : memref<1x128xi32, #tpu.memory_space<vmem>> -> memref<128xi32, #tpu.memory_space<vmem>>
        %dma_start3A_72 = arith.constant 0 : i32
        %dma_start3A_73 = arith.constant 0 : i32
        %dma_start3A_74 = tpu.memref_slice %arg4[%dma_start3A_72, %dma_start3A_73] : memref<10000x128xf32, #tpu.memory_space<hbm>> -> memref<10000x128xf32, #tpu.memory_space<hbm>>
        tpu.enqueue_indirect_dma source(%dma_start3A_74 : memref<10000x128xf32, #tpu.memory_space<hbm>>) target(%arg9 : memref<128x128xf32, #tpu.memory_space<vmem>>) offsets(%dma_start3A_71 : memref<128xi32, #tpu.memory_space<vmem>>) semaphore(%arg14 : memref<!tpu.dma_semaphore, #tpu.memory_space<semaphore_mem>>)
      } else {
      }
      %scan3A_59 = arith.constant 0 : i32
      %scan3A_60 = arith.constant 8 : i32
      %scan3A_61 = arith.addi %scan3A_59, %scan3A_60 : i32
      %scan3A_62 = arith.constant 1 : i32
      scf.for %scan3A_69 = %scan3A_59 to %scan3A_61 step %scan3A_62  : i32 {
        %mul3A_70 = arith.constant 2 : i32
        %mul3A_71 = arith.muli %scan3A_69, %mul3A_70 : i32
        %add3A_72 = arith.constant 0 : i32
        %add3A_73 = arith.addi %add3A_72, %mul3A_71 : i32
        %lt3A = arith.cmpi slt, %add3A_73, %sub3A_53 : i32
        %convert_element_type3A_74 = arith.extui %lt3A : i1 to i32
        %cond3A_75 = arith.constant 0 : i32
        %cond3A_76 = arith.cmpi ne, %convert_element_type3A_74, %cond3A_75 : i32
        scf.if %cond3A_76 {
          %dma_wait3A = arith.constant 0 : i32
          %dma_wait3A_106 = tpu.memref_slice %arg7[%add3A_73, %dma_wait3A] : memref<64x128xi32, #tpu.memory_space<vmem>> -> memref<1x128xi32, #tpu.memory_space<vmem>>
          %dma_wait3A_107 = tpu.memref_squeeze %dma_wait3A_106 : memref<1x128xi32, #tpu.memory_space<vmem>> -> memref<128xi32, #tpu.memory_space<vmem>>
          %dma_wait3A_108 = arith.constant 0 : i32
          %dma_wait3A_109 = arith.constant 0 : i32
          %dma_wait3A_110 = tpu.memref_slice %arg4[%dma_wait3A_108, %dma_wait3A_109] : memref<10000x128xf32, #tpu.memory_space<hbm>> -> memref<10000x128xf32, #tpu.memory_space<hbm>>
          tpu.wait_indirect_dma semaphore(%arg14 : memref<!tpu.dma_semaphore, #tpu.memory_space<semaphore_mem>>) src(%dma_wait3A_110 : memref<10000x128xf32, #tpu.memory_space<hbm>>) dst(%arg9 : memref<128x128xf32, #tpu.memory_space<vmem>>)
          %dma_start3A = arith.constant 0 : i32
          %dma_start3A_111 = tpu.memref_slice %arg8[%add3A_73, %dma_start3A] : memref<64x128xi32, #tpu.memory_space<vmem>> -> memref<1x128xi32, #tpu.memory_space<vmem>>
          %dma_start3A_112 = tpu.memref_squeeze %dma_start3A_111 : memref<1x128xi32, #tpu.memory_space<vmem>> -> memref<128xi32, #tpu.memory_space<vmem>>
          %dma_start3A_113 = arith.constant 0 : i32
          %dma_start3A_114 = arith.constant 0 : i32
          %dma_start3A_115 = tpu.memref_slice %arg12[%dma_start3A_113, %dma_start3A_114] : memref<10112x128xf32, #tpu.memory_space<vmem_shared>> -> memref<10112x128xf32, #tpu.memory_space<vmem_shared>>
          tpu.enqueue_indirect_dma source(%arg9 : memref<128x128xf32, #tpu.memory_space<vmem>>) target(%dma_start3A_115 : memref<10112x128xf32, #tpu.memory_space<vmem_shared>>) offsets(%dma_start3A_112 : memref<128xi32, #tpu.memory_space<vmem>>) semaphore(%arg15 : memref<!tpu.dma_semaphore, #tpu.memory_space<semaphore_mem>>) {add = true}
          %dma_start3A_116 = arith.constant 0 : i32
          %dma_start3A_117 = tpu.memref_slice %arg8[%add3A_73, %dma_start3A_116] : memref<64x128xi32, #tpu.memory_space<vmem>> -> memref<1x128xi32, #tpu.memory_space<vmem>>
          %dma_start3A_118 = tpu.memref_squeeze %dma_start3A_117 : memref<1x128xi32, #tpu.memory_space<vmem>> -> memref<128xi32, #tpu.memory_space<vmem>>
          %dma_start3A_119 = arith.constant 0 : i32
          %dma_start3A_120 = tpu.memref_slice %arg13[%dma_start3A_119] : memref<10112xf32, #tpu.memory_space<vmem_shared>> -> memref<10112xf32, #tpu.memory_space<vmem_shared>>
          tpu.enqueue_indirect_dma source(%arg11 : memref<128xf32, #tpu.memory_space<vmem>>) target(%dma_start3A_120 : memref<10112xf32, #tpu.memory_space<vmem_shared>>) offsets(%dma_start3A_118 : memref<128xi32, #tpu.memory_space<vmem>>) semaphore(%arg15 : memref<!tpu.dma_semaphore, #tpu.memory_space<semaphore_mem>>) {add = true}
        } else {
        }
        %gt3A_77 = arith.constant 0 : i32
        %gt3A_78 = arith.cmpi sgt, %add3A_73, %gt3A_77 : i32
        %sub3A_79 = arith.constant 1 : i32
        %sub3A_80 = arith.subi %add3A_73, %sub3A_79 : i32
        %lt3A_81 = arith.cmpi slt, %sub3A_80, %sub3A_53 : i32
        %and3A = arith.andi %gt3A_78, %lt3A_81 : i1
        %convert_element_type3A_82 = arith.extui %and3A : i1 to i32
        %cond3A_83 = arith.constant 0 : i32
        %cond3A_84 = arith.cmpi ne, %convert_element_type3A_82, %cond3A_83 : i32
        scf.if %cond3A_84 {
          %sub3A_106 = arith.constant 1 : i32
          %sub3A_107 = arith.subi %add3A_73, %sub3A_106 : i32
          %dma_wait3A = arith.constant 0 : i32
          %dma_wait3A_108 = tpu.memref_slice %arg8[%sub3A_107, %dma_wait3A] : memref<64x128xi32, #tpu.memory_space<vmem>> -> memref<1x128xi32, #tpu.memory_space<vmem>>
          %dma_wait3A_109 = tpu.memref_squeeze %dma_wait3A_108 : memref<1x128xi32, #tpu.memory_space<vmem>> -> memref<128xi32, #tpu.memory_space<vmem>>
          %dma_wait3A_110 = arith.constant 0 : i32
          %dma_wait3A_111 = arith.constant 0 : i32
          %dma_wait3A_112 = tpu.memref_slice %arg12[%dma_wait3A_110, %dma_wait3A_111] : memref<10112x128xf32, #tpu.memory_space<vmem_shared>> -> memref<10112x128xf32, #tpu.memory_space<vmem_shared>>
          tpu.wait_indirect_dma semaphore(%arg16 : memref<!tpu.dma_semaphore, #tpu.memory_space<semaphore_mem>>) src(%arg10 : memref<128x128xf32, #tpu.memory_space<vmem>>) dst(%dma_wait3A_112 : memref<10112x128xf32, #tpu.memory_space<vmem_shared>>)
          %dma_wait3A_113 = arith.constant 0 : i32
          %dma_wait3A_114 = tpu.memref_slice %arg8[%sub3A_107, %dma_wait3A_113] : memref<64x128xi32, #tpu.memory_space<vmem>> -> memref<1x128xi32, #tpu.memory_space<vmem>>
          %dma_wait3A_115 = tpu.memref_squeeze %dma_wait3A_114 : memref<1x128xi32, #tpu.memory_space<vmem>> -> memref<128xi32, #tpu.memory_space<vmem>>
          %dma_wait3A_116 = arith.constant 0 : i32
          %dma_wait3A_117 = tpu.memref_slice %arg13[%dma_wait3A_116] : memref<10112xf32, #tpu.memory_space<vmem_shared>> -> memref<10112xf32, #tpu.memory_space<vmem_shared>>
          tpu.wait_indirect_dma semaphore(%arg16 : memref<!tpu.dma_semaphore, #tpu.memory_space<semaphore_mem>>) src(%arg11 : memref<128xf32, #tpu.memory_space<vmem>>) dst(%dma_wait3A_117 : memref<10112xf32, #tpu.memory_space<vmem_shared>>)
        } else {
        }
        %add3A_85 = arith.constant 1 : i32
        %add3A_86 = arith.addi %add3A_73, %add3A_85 : i32
        %lt3A_87 = arith.cmpi slt, %add3A_86, %sub3A_53 : i32
        %convert_element_type3A_88 = arith.extui %lt3A_87 : i1 to i32
        %cond3A_89 = arith.constant 0 : i32
        %cond3A_90 = arith.cmpi ne, %convert_element_type3A_88, %cond3A_89 : i32
        scf.if %cond3A_90 {
          %add3A_106 = arith.constant 1 : i32
          %add3A_107 = arith.addi %add3A_73, %add3A_106 : i32
          %dma_start3A = arith.constant 0 : i32
          %dma_start3A_108 = tpu.memref_slice %arg7[%add3A_107, %dma_start3A] : memref<64x128xi32, #tpu.memory_space<vmem>> -> memref<1x128xi32, #tpu.memory_space<vmem>>
          %dma_start3A_109 = tpu.memref_squeeze %dma_start3A_108 : memref<1x128xi32, #tpu.memory_space<vmem>> -> memref<128xi32, #tpu.memory_space<vmem>>
          %dma_start3A_110 = arith.constant 0 : i32
          %dma_start3A_111 = arith.constant 0 : i32
          %dma_start3A_112 = tpu.memref_slice %arg4[%dma_start3A_110, %dma_start3A_111] : memref<10000x128xf32, #tpu.memory_space<hbm>> -> memref<10000x128xf32, #tpu.memory_space<hbm>>
          tpu.enqueue_indirect_dma source(%dma_start3A_112 : memref<10000x128xf32, #tpu.memory_space<hbm>>) target(%arg10 : memref<128x128xf32, #tpu.memory_space<vmem>>) offsets(%dma_start3A_109 : memref<128xi32, #tpu.memory_space<vmem>>) semaphore(%arg14 : memref<!tpu.dma_semaphore, #tpu.memory_space<semaphore_mem>>)
          %add3A_113 = arith.constant 1 : i32
          %add3A_114 = arith.addi %add3A_73, %add3A_113 : i32
          %dma_wait3A = arith.constant 0 : i32
          %dma_wait3A_115 = tpu.memref_slice %arg7[%add3A_114, %dma_wait3A] : memref<64x128xi32, #tpu.memory_space<vmem>> -> memref<1x128xi32, #tpu.memory_space<vmem>>
          %dma_wait3A_116 = tpu.memref_squeeze %dma_wait3A_115 : memref<1x128xi32, #tpu.memory_space<vmem>> -> memref<128xi32, #tpu.memory_space<vmem>>
          %dma_wait3A_117 = arith.constant 0 : i32
          %dma_wait3A_118 = arith.constant 0 : i32
          %dma_wait3A_119 = tpu.memref_slice %arg4[%dma_wait3A_117, %dma_wait3A_118] : memref<10000x128xf32, #tpu.memory_space<hbm>> -> memref<10000x128xf32, #tpu.memory_space<hbm>>
          tpu.wait_indirect_dma semaphore(%arg14 : memref<!tpu.dma_semaphore, #tpu.memory_space<semaphore_mem>>) src(%dma_wait3A_119 : memref<10000x128xf32, #tpu.memory_space<hbm>>) dst(%arg10 : memref<128x128xf32, #tpu.memory_space<vmem>>)
          %add3A_120 = arith.constant 1 : i32
          %add3A_121 = arith.addi %add3A_73, %add3A_120 : i32
          %dma_start3A_122 = arith.constant 0 : i32
          %dma_start3A_123 = tpu.memref_slice %arg8[%add3A_121, %dma_start3A_122] : memref<64x128xi32, #tpu.memory_space<vmem>> -> memref<1x128xi32, #tpu.memory_space<vmem>>
          %dma_start3A_124 = tpu.memref_squeeze %dma_start3A_123 : memref<1x128xi32, #tpu.memory_space<vmem>> -> memref<128xi32, #tpu.memory_space<vmem>>
          %dma_start3A_125 = arith.constant 0 : i32
          %dma_start3A_126 = arith.constant 0 : i32
          %dma_start3A_127 = tpu.memref_slice %arg12[%dma_start3A_125, %dma_start3A_126] : memref<10112x128xf32, #tpu.memory_space<vmem_shared>> -> memref<10112x128xf32, #tpu.memory_space<vmem_shared>>
          tpu.enqueue_indirect_dma source(%arg10 : memref<128x128xf32, #tpu.memory_space<vmem>>) target(%dma_start3A_127 : memref<10112x128xf32, #tpu.memory_space<vmem_shared>>) offsets(%dma_start3A_124 : memref<128xi32, #tpu.memory_space<vmem>>) semaphore(%arg16 : memref<!tpu.dma_semaphore, #tpu.memory_space<semaphore_mem>>) {add = true}
          %dma_start3A_128 = arith.constant 0 : i32
          %dma_start3A_129 = tpu.memref_slice %arg8[%add3A_121, %dma_start3A_128] : memref<64x128xi32, #tpu.memory_space<vmem>> -> memref<1x128xi32, #tpu.memory_space<vmem>>
          %dma_start3A_130 = tpu.memref_squeeze %dma_start3A_129 : memref<1x128xi32, #tpu.memory_space<vmem>> -> memref<128xi32, #tpu.memory_space<vmem>>
          %dma_start3A_131 = arith.constant 0 : i32
          %dma_start3A_132 = tpu.memref_slice %arg13[%dma_start3A_131] : memref<10112xf32, #tpu.memory_space<vmem_shared>> -> memref<10112xf32, #tpu.memory_space<vmem_shared>>
          tpu.enqueue_indirect_dma source(%arg11 : memref<128xf32, #tpu.memory_space<vmem>>) target(%dma_start3A_132 : memref<10112xf32, #tpu.memory_space<vmem_shared>>) offsets(%dma_start3A_130 : memref<128xi32, #tpu.memory_space<vmem>>) semaphore(%arg16 : memref<!tpu.dma_semaphore, #tpu.memory_space<semaphore_mem>>) {add = true}
        } else {
        }
        %lt3A_91 = arith.cmpi slt, %add3A_73, %sub3A_53 : i32
        %convert_element_type3A_92 = arith.extui %lt3A_91 : i1 to i32
        %cond3A_93 = arith.constant 0 : i32
        %cond3A_94 = arith.cmpi ne, %convert_element_type3A_92, %cond3A_93 : i32
        scf.if %cond3A_94 {
          %dma_wait3A = arith.constant 0 : i32
          %dma_wait3A_106 = tpu.memref_slice %arg8[%add3A_73, %dma_wait3A] : memref<64x128xi32, #tpu.memory_space<vmem>> -> memref<1x128xi32, #tpu.memory_space<vmem>>
          %dma_wait3A_107 = tpu.memref_squeeze %dma_wait3A_106 : memref<1x128xi32, #tpu.memory_space<vmem>> -> memref<128xi32, #tpu.memory_space<vmem>>
          %dma_wait3A_108 = arith.constant 0 : i32
          %dma_wait3A_109 = arith.constant 0 : i32
          %dma_wait3A_110 = tpu.memref_slice %arg12[%dma_wait3A_108, %dma_wait3A_109] : memref<10112x128xf32, #tpu.memory_space<vmem_shared>> -> memref<10112x128xf32, #tpu.memory_space<vmem_shared>>
          tpu.wait_indirect_dma semaphore(%arg15 : memref<!tpu.dma_semaphore, #tpu.memory_space<semaphore_mem>>) src(%arg9 : memref<128x128xf32, #tpu.memory_space<vmem>>) dst(%dma_wait3A_110 : memref<10112x128xf32, #tpu.memory_space<vmem_shared>>)
          %dma_wait3A_111 = arith.constant 0 : i32
          %dma_wait3A_112 = tpu.memref_slice %arg8[%add3A_73, %dma_wait3A_111] : memref<64x128xi32, #tpu.memory_space<vmem>> -> memref<1x128xi32, #tpu.memory_space<vmem>>
          %dma_wait3A_113 = tpu.memref_squeeze %dma_wait3A_112 : memref<1x128xi32, #tpu.memory_space<vmem>> -> memref<128xi32, #tpu.memory_space<vmem>>
          %dma_wait3A_114 = arith.constant 0 : i32
          %dma_wait3A_115 = tpu.memref_slice %arg13[%dma_wait3A_114] : memref<10112xf32, #tpu.memory_space<vmem_shared>> -> memref<10112xf32, #tpu.memory_space<vmem_shared>>
          tpu.wait_indirect_dma semaphore(%arg15 : memref<!tpu.dma_semaphore, #tpu.memory_space<semaphore_mem>>) src(%arg11 : memref<128xf32, #tpu.memory_space<vmem>>) dst(%dma_wait3A_115 : memref<10112xf32, #tpu.memory_space<vmem_shared>>)
        } else {
        }
        %add3A_95 = arith.constant 2 : i32
        %add3A_96 = arith.addi %add3A_73, %add3A_95 : i32
        %lt3A_97 = arith.constant 16 : i32
        %lt3A_98 = arith.cmpi slt, %add3A_96, %lt3A_97 : i32
        %add3A_99 = arith.constant 2 : i32
        %add3A_100 = arith.addi %add3A_73, %add3A_99 : i32
        %lt3A_101 = arith.cmpi slt, %add3A_100, %sub3A_53 : i32
        %and3A_102 = arith.andi %lt3A_98, %lt3A_101 : i1
        %convert_element_type3A_103 = arith.extui %and3A_102 : i1 to i32
        %cond3A_104 = arith.constant 0 : i32
        %cond3A_105 = arith.cmpi ne, %convert_element_type3A_103, %cond3A_104 : i32
        scf.if %cond3A_105 {
          %add3A_106 = arith.constant 2 : i32
          %add3A_107 = arith.addi %add3A_73, %add3A_106 : i32
          %dma_start3A = arith.constant 0 : i32
          %dma_start3A_108 = tpu.memref_slice %arg7[%add3A_107, %dma_start3A] : memref<64x128xi32, #tpu.memory_space<vmem>> -> memref<1x128xi32, #tpu.memory_space<vmem>>
          %dma_start3A_109 = tpu.memref_squeeze %dma_start3A_108 : memref<1x128xi32, #tpu.memory_space<vmem>> -> memref<128xi32, #tpu.memory_space<vmem>>
          %dma_start3A_110 = arith.constant 0 : i32
          %dma_start3A_111 = arith.constant 0 : i32
          %dma_start3A_112 = tpu.memref_slice %arg4[%dma_start3A_110, %dma_start3A_111] : memref<10000x128xf32, #tpu.memory_space<hbm>> -> memref<10000x128xf32, #tpu.memory_space<hbm>>
          tpu.enqueue_indirect_dma source(%dma_start3A_112 : memref<10000x128xf32, #tpu.memory_space<hbm>>) target(%arg9 : memref<128x128xf32, #tpu.memory_space<vmem>>) offsets(%dma_start3A_109 : memref<128xi32, #tpu.memory_space<vmem>>) semaphore(%arg14 : memref<!tpu.dma_semaphore, #tpu.memory_space<semaphore_mem>>)
        } else {
        }
      }
      %scan3A_63 = arith.constant 8 : i32
      %gt3A_64 = arith.constant 15 : i32
      %gt3A_65 = arith.cmpi sgt, %sub3A_53, %gt3A_64 : i32
      %convert_element_type3A_66 = arith.extui %gt3A_65 : i1 to i32
      %cond3A_67 = arith.constant 0 : i32
      %cond3A_68 = arith.cmpi ne, %convert_element_type3A_66, %cond3A_67 : i32
      scf.if %cond3A_68 {
        %dma_wait3A = arith.constant 15 : i32
        %dma_wait3A_69 = arith.constant 0 : i32
        %dma_wait3A_70 = tpu.memref_slice %arg8[%dma_wait3A, %dma_wait3A_69] : memref<64x128xi32, #tpu.memory_space<vmem>> -> memref<1x128xi32, #tpu.memory_space<vmem>>
        %dma_wait3A_71 = tpu.memref_squeeze %dma_wait3A_70 : memref<1x128xi32, #tpu.memory_space<vmem>> -> memref<128xi32, #tpu.memory_space<vmem>>
        %dma_wait3A_72 = arith.constant 0 : i32
        %dma_wait3A_73 = arith.constant 0 : i32
        %dma_wait3A_74 = tpu.memref_slice %arg12[%dma_wait3A_72, %dma_wait3A_73] : memref<10112x128xf32, #tpu.memory_space<vmem_shared>> -> memref<10112x128xf32, #tpu.memory_space<vmem_shared>>
        tpu.wait_indirect_dma semaphore(%arg16 : memref<!tpu.dma_semaphore, #tpu.memory_space<semaphore_mem>>) src(%arg10 : memref<128x128xf32, #tpu.memory_space<vmem>>) dst(%dma_wait3A_74 : memref<10112x128xf32, #tpu.memory_space<vmem_shared>>)
        %dma_wait3A_75 = arith.constant 15 : i32
        %dma_wait3A_76 = arith.constant 0 : i32
        %dma_wait3A_77 = tpu.memref_slice %arg8[%dma_wait3A_75, %dma_wait3A_76] : memref<64x128xi32, #tpu.memory_space<vmem>> -> memref<1x128xi32, #tpu.memory_space<vmem>>
        %dma_wait3A_78 = tpu.memref_squeeze %dma_wait3A_77 : memref<1x128xi32, #tpu.memory_space<vmem>> -> memref<128xi32, #tpu.memory_space<vmem>>
        %dma_wait3A_79 = arith.constant 0 : i32
        %dma_wait3A_80 = tpu.memref_slice %arg13[%dma_wait3A_79] : memref<10112xf32, #tpu.memory_space<vmem_shared>> -> memref<10112xf32, #tpu.memory_space<vmem_shared>>
        tpu.wait_indirect_dma semaphore(%arg16 : memref<!tpu.dma_semaphore, #tpu.memory_space<semaphore_mem>>) src(%arg11 : memref<128xf32, #tpu.memory_space<vmem>>) dst(%dma_wait3A_80 : memref<10112xf32, #tpu.memory_space<vmem_shared>>)
      } else {
      }
    } else {
    }
    %eq3A_16 = arith.constant 1 : i32
    %eq3A_17 = arith.cmpi eq, %arg0, %eq3A_16 : i32
    %convert_element_type3A_18 = arith.extui %eq3A_17 : i1 to i32
    %cond3A_19 = arith.constant 0 : i32
    %cond3A_20 = arith.cmpi ne, %convert_element_type3A_18, %cond3A_19 : i32
    scf.if %cond3A_20 {
      %mul3A_30 = arith.constant 80 : i32
      %mul3A_31 = arith.muli %arg1, %mul3A_30 : i32
      %add3A = arith.constant 1280 : i32
      %add3A_32 = arith.addi %add3A, %mul3A_31 : i32
      %add3A_33 = arith.constant 0 : i32
      %add3A_34 = arith.addi %add3A_32, %add3A_33 : i32
      %sub3A = arith.constant 2500 : i32
      %sub3A_35 = arith.subi %sub3A, %add3A_34 : i32
      "tpu.region"() ({
        %run_scoped3A = tpu.sem_alloc : memref<!tpu.dma_semaphore, #tpu.memory_space<semaphore_mem>>
        %dma_start3A = arith.constant 0 : i32
        %dma_start3A_73 = arith.constant 0 : i32
        %dma_start3A_74 = tpu.memref_slice %arg7[%dma_start3A, %dma_start3A_73] : memref<64x128xi32, #tpu.memory_space<vmem>> -> memref<64x128xi32, #tpu.memory_space<vmem>>
        %dma_start3A_75 = arith.constant 0 : i32
        %dma_start3A_76 = tpu.memref_slice %arg2[%add3A_34, %dma_start3A_75] : memref<2560x128xi32, #tpu.memory_space<hbm>> -> memref<64x128xi32, #tpu.memory_space<hbm>>
        %dma_start3A_77 = arith.constant 0 : i32
        %dma_start3A_78 = arith.constant 0 : i32
        %dma_start3A_79 = tpu.memref_slice %arg7[%dma_start3A_77, %dma_start3A_78] : memref<64x128xi32, #tpu.memory_space<vmem>> -> memref<64x128xi32, #tpu.memory_space<vmem>>
        %dma_start3A_80 = arith.constant 0 : i32
        %dma_start3A_81 = tpu.memref_slice %arg2[%add3A_34, %dma_start3A_80] : memref<2560x128xi32, #tpu.memory_space<hbm>> -> memref<64x128xi32, #tpu.memory_space<hbm>>
        tpu.enqueue_dma source(%dma_start3A_81 : memref<64x128xi32, #tpu.memory_space<hbm>>) target(%dma_start3A_79 : memref<64x128xi32, #tpu.memory_space<vmem>>) target_semaphore(%run_scoped3A : memref<!tpu.dma_semaphore, #tpu.memory_space<semaphore_mem>>)
        %dma_wait3A = arith.constant 0 : i32
        %dma_wait3A_82 = arith.constant 0 : i32
        %dma_wait3A_83 = tpu.memref_slice %arg7[%dma_wait3A, %dma_wait3A_82] : memref<64x128xi32, #tpu.memory_space<vmem>> -> memref<64x128xi32, #tpu.memory_space<vmem>>
        %dma_wait3A_84 = arith.constant 0 : i32
        %dma_wait3A_85 = tpu.memref_slice %arg2[%add3A_34, %dma_wait3A_84] : memref<2560x128xi32, #tpu.memory_space<hbm>> -> memref<64x128xi32, #tpu.memory_space<hbm>>
        %dma_wait3A_86 = arith.constant 0 : i32
        %dma_wait3A_87 = arith.constant 0 : i32
        %dma_wait3A_88 = tpu.memref_slice %arg7[%dma_wait3A_86, %dma_wait3A_87] : memref<64x128xi32, #tpu.memory_space<vmem>> -> memref<64x128xi32, #tpu.memory_space<vmem>>
        %dma_wait3A_89 = arith.constant 0 : i32
        %dma_wait3A_90 = tpu.memref_slice %arg2[%add3A_34, %dma_wait3A_89] : memref<2560x128xi32, #tpu.memory_space<hbm>> -> memref<64x128xi32, #tpu.memory_space<hbm>>
        tpu.wait_dma2 semaphore(%run_scoped3A : memref<!tpu.dma_semaphore, #tpu.memory_space<semaphore_mem>>) src(%dma_wait3A_90 : memref<64x128xi32, #tpu.memory_space<hbm>>) dst(%dma_wait3A_88 : memref<64x128xi32, #tpu.memory_space<vmem>>)
        tpu.yield
      }) : () -> ()
      "tpu.region"() ({
        %run_scoped3A = tpu.sem_alloc : memref<!tpu.dma_semaphore, #tpu.memory_space<semaphore_mem>>
        %dma_start3A = arith.constant 0 : i32
        %dma_start3A_73 = arith.constant 0 : i32
        %dma_start3A_74 = tpu.memref_slice %arg8[%dma_start3A, %dma_start3A_73] : memref<64x128xi32, #tpu.memory_space<vmem>> -> memref<64x128xi32, #tpu.memory_space<vmem>>
        %dma_start3A_75 = arith.constant 0 : i32
        %dma_start3A_76 = tpu.memref_slice %arg3[%add3A_34, %dma_start3A_75] : memref<2560x128xi32, #tpu.memory_space<hbm>> -> memref<64x128xi32, #tpu.memory_space<hbm>>
        %dma_start3A_77 = arith.constant 0 : i32
        %dma_start3A_78 = arith.constant 0 : i32
        %dma_start3A_79 = tpu.memref_slice %arg8[%dma_start3A_77, %dma_start3A_78] : memref<64x128xi32, #tpu.memory_space<vmem>> -> memref<64x128xi32, #tpu.memory_space<vmem>>
        %dma_start3A_80 = arith.constant 0 : i32
        %dma_start3A_81 = tpu.memref_slice %arg3[%add3A_34, %dma_start3A_80] : memref<2560x128xi32, #tpu.memory_space<hbm>> -> memref<64x128xi32, #tpu.memory_space<hbm>>
        tpu.enqueue_dma source(%dma_start3A_81 : memref<64x128xi32, #tpu.memory_space<hbm>>) target(%dma_start3A_79 : memref<64x128xi32, #tpu.memory_space<vmem>>) target_semaphore(%run_scoped3A : memref<!tpu.dma_semaphore, #tpu.memory_space<semaphore_mem>>)
        %dma_wait3A = arith.constant 0 : i32
        %dma_wait3A_82 = arith.constant 0 : i32
        %dma_wait3A_83 = tpu.memref_slice %arg8[%dma_wait3A, %dma_wait3A_82] : memref<64x128xi32, #tpu.memory_space<vmem>> -> memref<64x128xi32, #tpu.memory_space<vmem>>
        %dma_wait3A_84 = arith.constant 0 : i32
        %dma_wait3A_85 = tpu.memref_slice %arg3[%add3A_34, %dma_wait3A_84] : memref<2560x128xi32, #tpu.memory_space<hbm>> -> memref<64x128xi32, #tpu.memory_space<hbm>>
        %dma_wait3A_86 = arith.constant 0 : i32
        %dma_wait3A_87 = arith.constant 0 : i32
        %dma_wait3A_88 = tpu.memref_slice %arg8[%dma_wait3A_86, %dma_wait3A_87] : memref<64x128xi32, #tpu.memory_space<vmem>> -> memref<64x128xi32, #tpu.memory_space<vmem>>
        %dma_wait3A_89 = arith.constant 0 : i32
        %dma_wait3A_90 = tpu.memref_slice %arg3[%add3A_34, %dma_wait3A_89] : memref<2560x128xi32, #tpu.memory_space<hbm>> -> memref<64x128xi32, #tpu.memory_space<hbm>>
        tpu.wait_dma2 semaphore(%run_scoped3A : memref<!tpu.dma_semaphore, #tpu.memory_space<semaphore_mem>>) src(%dma_wait3A_90 : memref<64x128xi32, #tpu.memory_space<hbm>>) dst(%dma_wait3A_88 : memref<64x128xi32, #tpu.memory_space<vmem>>)
        tpu.yield
      }) : () -> ()
      %gt3A = arith.constant 0 : i32
      %gt3A_36 = arith.cmpi sgt, %sub3A_35, %gt3A : i32
      %convert_element_type3A_37 = arith.extui %gt3A_36 : i1 to i32
      %cond3A_38 = arith.constant 0 : i32
      %cond3A_39 = arith.cmpi ne, %convert_element_type3A_37, %cond3A_38 : i32
      scf.if %cond3A_39 {
        %dma_start3A = arith.constant 0 : i32
        %dma_start3A_73 = arith.constant 0 : i32
        %dma_start3A_74 = tpu.memref_slice %arg7[%dma_start3A, %dma_start3A_73] : memref<64x128xi32, #tpu.memory_space<vmem>> -> memref<1x128xi32, #tpu.memory_space<vmem>>
        %dma_start3A_75 = tpu.memref_squeeze %dma_start3A_74 : memref<1x128xi32, #tpu.memory_space<vmem>> -> memref<128xi32, #tpu.memory_space<vmem>>
        %dma_start3A_76 = arith.constant 0 : i32
        %dma_start3A_77 = arith.constant 0 : i32
        %dma_start3A_78 = tpu.memref_slice %arg4[%dma_start3A_76, %dma_start3A_77] : memref<10000x128xf32, #tpu.memory_space<hbm>> -> memref<10000x128xf32, #tpu.memory_space<hbm>>
        tpu.enqueue_indirect_dma source(%dma_start3A_78 : memref<10000x128xf32, #tpu.memory_space<hbm>>) target(%arg9 : memref<128x128xf32, #tpu.memory_space<vmem>>) offsets(%dma_start3A_75 : memref<128xi32, #tpu.memory_space<vmem>>) semaphore(%arg14 : memref<!tpu.dma_semaphore, #tpu.memory_space<semaphore_mem>>)
      } else {
      }
      %scan3A_40 = arith.constant 0 : i32
      %scan3A_41 = arith.constant 32 : i32
      %scan3A_42 = arith.addi %scan3A_40, %scan3A_41 : i32
      %scan3A_43 = arith.constant 1 : i32
      scf.for %scan3A_73 = %scan3A_40 to %scan3A_42 step %scan3A_43  : i32 {
        %mul3A_74 = arith.constant 2 : i32
        %mul3A_75 = arith.muli %scan3A_73, %mul3A_74 : i32
        %add3A_76 = arith.constant 0 : i32
        %add3A_77 = arith.addi %add3A_76, %mul3A_75 : i32
        %lt3A = arith.cmpi slt, %add3A_77, %sub3A_35 : i32
        %convert_element_type3A_78 = arith.extui %lt3A : i1 to i32
        %cond3A_79 = arith.constant 0 : i32
        %cond3A_80 = arith.cmpi ne, %convert_element_type3A_78, %cond3A_79 : i32
        scf.if %cond3A_80 {
          %dma_wait3A = arith.constant 0 : i32
          %dma_wait3A_110 = tpu.memref_slice %arg7[%add3A_77, %dma_wait3A] : memref<64x128xi32, #tpu.memory_space<vmem>> -> memref<1x128xi32, #tpu.memory_space<vmem>>
          %dma_wait3A_111 = tpu.memref_squeeze %dma_wait3A_110 : memref<1x128xi32, #tpu.memory_space<vmem>> -> memref<128xi32, #tpu.memory_space<vmem>>
          %dma_wait3A_112 = arith.constant 0 : i32
          %dma_wait3A_113 = arith.constant 0 : i32
          %dma_wait3A_114 = tpu.memref_slice %arg4[%dma_wait3A_112, %dma_wait3A_113] : memref<10000x128xf32, #tpu.memory_space<hbm>> -> memref<10000x128xf32, #tpu.memory_space<hbm>>
          tpu.wait_indirect_dma semaphore(%arg14 : memref<!tpu.dma_semaphore, #tpu.memory_space<semaphore_mem>>) src(%dma_wait3A_114 : memref<10000x128xf32, #tpu.memory_space<hbm>>) dst(%arg9 : memref<128x128xf32, #tpu.memory_space<vmem>>)
          %dma_start3A = arith.constant 0 : i32
          %dma_start3A_115 = tpu.memref_slice %arg8[%add3A_77, %dma_start3A] : memref<64x128xi32, #tpu.memory_space<vmem>> -> memref<1x128xi32, #tpu.memory_space<vmem>>
          %dma_start3A_116 = tpu.memref_squeeze %dma_start3A_115 : memref<1x128xi32, #tpu.memory_space<vmem>> -> memref<128xi32, #tpu.memory_space<vmem>>
          %dma_start3A_117 = arith.constant 0 : i32
          %dma_start3A_118 = arith.constant 0 : i32
          %dma_start3A_119 = tpu.memref_slice %arg12[%dma_start3A_117, %dma_start3A_118] : memref<10112x128xf32, #tpu.memory_space<vmem_shared>> -> memref<10112x128xf32, #tpu.memory_space<vmem_shared>>
          tpu.enqueue_indirect_dma source(%arg9 : memref<128x128xf32, #tpu.memory_space<vmem>>) target(%dma_start3A_119 : memref<10112x128xf32, #tpu.memory_space<vmem_shared>>) offsets(%dma_start3A_116 : memref<128xi32, #tpu.memory_space<vmem>>) semaphore(%arg15 : memref<!tpu.dma_semaphore, #tpu.memory_space<semaphore_mem>>) {add = true}
          %dma_start3A_120 = arith.constant 0 : i32
          %dma_start3A_121 = tpu.memref_slice %arg8[%add3A_77, %dma_start3A_120] : memref<64x128xi32, #tpu.memory_space<vmem>> -> memref<1x128xi32, #tpu.memory_space<vmem>>
          %dma_start3A_122 = tpu.memref_squeeze %dma_start3A_121 : memref<1x128xi32, #tpu.memory_space<vmem>> -> memref<128xi32, #tpu.memory_space<vmem>>
          %dma_start3A_123 = arith.constant 0 : i32
          %dma_start3A_124 = tpu.memref_slice %arg13[%dma_start3A_123] : memref<10112xf32, #tpu.memory_space<vmem_shared>> -> memref<10112xf32, #tpu.memory_space<vmem_shared>>
          tpu.enqueue_indirect_dma source(%arg11 : memref<128xf32, #tpu.memory_space<vmem>>) target(%dma_start3A_124 : memref<10112xf32, #tpu.memory_space<vmem_shared>>) offsets(%dma_start3A_122 : memref<128xi32, #tpu.memory_space<vmem>>) semaphore(%arg15 : memref<!tpu.dma_semaphore, #tpu.memory_space<semaphore_mem>>) {add = true}
        } else {
        }
        %gt3A_81 = arith.constant 0 : i32
        %gt3A_82 = arith.cmpi sgt, %add3A_77, %gt3A_81 : i32
        %sub3A_83 = arith.constant 1 : i32
        %sub3A_84 = arith.subi %add3A_77, %sub3A_83 : i32
        %lt3A_85 = arith.cmpi slt, %sub3A_84, %sub3A_35 : i32
        %and3A = arith.andi %gt3A_82, %lt3A_85 : i1
        %convert_element_type3A_86 = arith.extui %and3A : i1 to i32
        %cond3A_87 = arith.constant 0 : i32
        %cond3A_88 = arith.cmpi ne, %convert_element_type3A_86, %cond3A_87 : i32
        scf.if %cond3A_88 {
          %sub3A_110 = arith.constant 1 : i32
          %sub3A_111 = arith.subi %add3A_77, %sub3A_110 : i32
          %dma_wait3A = arith.constant 0 : i32
          %dma_wait3A_112 = tpu.memref_slice %arg8[%sub3A_111, %dma_wait3A] : memref<64x128xi32, #tpu.memory_space<vmem>> -> memref<1x128xi32, #tpu.memory_space<vmem>>
          %dma_wait3A_113 = tpu.memref_squeeze %dma_wait3A_112 : memref<1x128xi32, #tpu.memory_space<vmem>> -> memref<128xi32, #tpu.memory_space<vmem>>
          %dma_wait3A_114 = arith.constant 0 : i32
          %dma_wait3A_115 = arith.constant 0 : i32
          %dma_wait3A_116 = tpu.memref_slice %arg12[%dma_wait3A_114, %dma_wait3A_115] : memref<10112x128xf32, #tpu.memory_space<vmem_shared>> -> memref<10112x128xf32, #tpu.memory_space<vmem_shared>>
          tpu.wait_indirect_dma semaphore(%arg16 : memref<!tpu.dma_semaphore, #tpu.memory_space<semaphore_mem>>) src(%arg10 : memref<128x128xf32, #tpu.memory_space<vmem>>) dst(%dma_wait3A_116 : memref<10112x128xf32, #tpu.memory_space<vmem_shared>>)
          %dma_wait3A_117 = arith.constant 0 : i32
          %dma_wait3A_118 = tpu.memref_slice %arg8[%sub3A_111, %dma_wait3A_117] : memref<64x128xi32, #tpu.memory_space<vmem>> -> memref<1x128xi32, #tpu.memory_space<vmem>>
          %dma_wait3A_119 = tpu.memref_squeeze %dma_wait3A_118 : memref<1x128xi32, #tpu.memory_space<vmem>> -> memref<128xi32, #tpu.memory_space<vmem>>
          %dma_wait3A_120 = arith.constant 0 : i32
          %dma_wait3A_121 = tpu.memref_slice %arg13[%dma_wait3A_120] : memref<10112xf32, #tpu.memory_space<vmem_shared>> -> memref<10112xf32, #tpu.memory_space<vmem_shared>>
          tpu.wait_indirect_dma semaphore(%arg16 : memref<!tpu.dma_semaphore, #tpu.memory_space<semaphore_mem>>) src(%arg11 : memref<128xf32, #tpu.memory_space<vmem>>) dst(%dma_wait3A_121 : memref<10112xf32, #tpu.memory_space<vmem_shared>>)
        } else {
        }
        %add3A_89 = arith.constant 1 : i32
        %add3A_90 = arith.addi %add3A_77, %add3A_89 : i32
        %lt3A_91 = arith.cmpi slt, %add3A_90, %sub3A_35 : i32
        %convert_element_type3A_92 = arith.extui %lt3A_91 : i1 to i32
        %cond3A_93 = arith.constant 0 : i32
        %cond3A_94 = arith.cmpi ne, %convert_element_type3A_92, %cond3A_93 : i32
        scf.if %cond3A_94 {
          %add3A_110 = arith.constant 1 : i32
          %add3A_111 = arith.addi %add3A_77, %add3A_110 : i32
          %dma_start3A = arith.constant 0 : i32
          %dma_start3A_112 = tpu.memref_slice %arg7[%add3A_111, %dma_start3A] : memref<64x128xi32, #tpu.memory_space<vmem>> -> memref<1x128xi32, #tpu.memory_space<vmem>>
          %dma_start3A_113 = tpu.memref_squeeze %dma_start3A_112 : memref<1x128xi32, #tpu.memory_space<vmem>> -> memref<128xi32, #tpu.memory_space<vmem>>
          %dma_start3A_114 = arith.constant 0 : i32
          %dma_start3A_115 = arith.constant 0 : i32
          %dma_start3A_116 = tpu.memref_slice %arg4[%dma_start3A_114, %dma_start3A_115] : memref<10000x128xf32, #tpu.memory_space<hbm>> -> memref<10000x128xf32, #tpu.memory_space<hbm>>
          tpu.enqueue_indirect_dma source(%dma_start3A_116 : memref<10000x128xf32, #tpu.memory_space<hbm>>) target(%arg10 : memref<128x128xf32, #tpu.memory_space<vmem>>) offsets(%dma_start3A_113 : memref<128xi32, #tpu.memory_space<vmem>>) semaphore(%arg14 : memref<!tpu.dma_semaphore, #tpu.memory_space<semaphore_mem>>)
          %add3A_117 = arith.constant 1 : i32
          %add3A_118 = arith.addi %add3A_77, %add3A_117 : i32
          %dma_wait3A = arith.constant 0 : i32
          %dma_wait3A_119 = tpu.memref_slice %arg7[%add3A_118, %dma_wait3A] : memref<64x128xi32, #tpu.memory_space<vmem>> -> memref<1x128xi32, #tpu.memory_space<vmem>>
          %dma_wait3A_120 = tpu.memref_squeeze %dma_wait3A_119 : memref<1x128xi32, #tpu.memory_space<vmem>> -> memref<128xi32, #tpu.memory_space<vmem>>
          %dma_wait3A_121 = arith.constant 0 : i32
          %dma_wait3A_122 = arith.constant 0 : i32
          %dma_wait3A_123 = tpu.memref_slice %arg4[%dma_wait3A_121, %dma_wait3A_122] : memref<10000x128xf32, #tpu.memory_space<hbm>> -> memref<10000x128xf32, #tpu.memory_space<hbm>>
          tpu.wait_indirect_dma semaphore(%arg14 : memref<!tpu.dma_semaphore, #tpu.memory_space<semaphore_mem>>) src(%dma_wait3A_123 : memref<10000x128xf32, #tpu.memory_space<hbm>>) dst(%arg10 : memref<128x128xf32, #tpu.memory_space<vmem>>)
          %add3A_124 = arith.constant 1 : i32
          %add3A_125 = arith.addi %add3A_77, %add3A_124 : i32
          %dma_start3A_126 = arith.constant 0 : i32
          %dma_start3A_127 = tpu.memref_slice %arg8[%add3A_125, %dma_start3A_126] : memref<64x128xi32, #tpu.memory_space<vmem>> -> memref<1x128xi32, #tpu.memory_space<vmem>>
          %dma_start3A_128 = tpu.memref_squeeze %dma_start3A_127 : memref<1x128xi32, #tpu.memory_space<vmem>> -> memref<128xi32, #tpu.memory_space<vmem>>
          %dma_start3A_129 = arith.constant 0 : i32
          %dma_start3A_130 = arith.constant 0 : i32
          %dma_start3A_131 = tpu.memref_slice %arg12[%dma_start3A_129, %dma_start3A_130] : memref<10112x128xf32, #tpu.memory_space<vmem_shared>> -> memref<10112x128xf32, #tpu.memory_space<vmem_shared>>
          tpu.enqueue_indirect_dma source(%arg10 : memref<128x128xf32, #tpu.memory_space<vmem>>) target(%dma_start3A_131 : memref<10112x128xf32, #tpu.memory_space<vmem_shared>>) offsets(%dma_start3A_128 : memref<128xi32, #tpu.memory_space<vmem>>) semaphore(%arg16 : memref<!tpu.dma_semaphore, #tpu.memory_space<semaphore_mem>>) {add = true}
          %dma_start3A_132 = arith.constant 0 : i32
          %dma_start3A_133 = tpu.memref_slice %arg8[%add3A_125, %dma_start3A_132] : memref<64x128xi32, #tpu.memory_space<vmem>> -> memref<1x128xi32, #tpu.memory_space<vmem>>
          %dma_start3A_134 = tpu.memref_squeeze %dma_start3A_133 : memref<1x128xi32, #tpu.memory_space<vmem>> -> memref<128xi32, #tpu.memory_space<vmem>>
          %dma_start3A_135 = arith.constant 0 : i32
          %dma_start3A_136 = tpu.memref_slice %arg13[%dma_start3A_135] : memref<10112xf32, #tpu.memory_space<vmem_shared>> -> memref<10112xf32, #tpu.memory_space<vmem_shared>>
          tpu.enqueue_indirect_dma source(%arg11 : memref<128xf32, #tpu.memory_space<vmem>>) target(%dma_start3A_136 : memref<10112xf32, #tpu.memory_space<vmem_shared>>) offsets(%dma_start3A_134 : memref<128xi32, #tpu.memory_space<vmem>>) semaphore(%arg16 : memref<!tpu.dma_semaphore, #tpu.memory_space<semaphore_mem>>) {add = true}
        } else {
        }
        %lt3A_95 = arith.cmpi slt, %add3A_77, %sub3A_35 : i32
        %convert_element_type3A_96 = arith.extui %lt3A_95 : i1 to i32
        %cond3A_97 = arith.constant 0 : i32
        %cond3A_98 = arith.cmpi ne, %convert_element_type3A_96, %cond3A_97 : i32
        scf.if %cond3A_98 {
          %dma_wait3A = arith.constant 0 : i32
          %dma_wait3A_110 = tpu.memref_slice %arg8[%add3A_77, %dma_wait3A] : memref<64x128xi32, #tpu.memory_space<vmem>> -> memref<1x128xi32, #tpu.memory_space<vmem>>
          %dma_wait3A_111 = tpu.memref_squeeze %dma_wait3A_110 : memref<1x128xi32, #tpu.memory_space<vmem>> -> memref<128xi32, #tpu.memory_space<vmem>>
          %dma_wait3A_112 = arith.constant 0 : i32
          %dma_wait3A_113 = arith.constant 0 : i32
          %dma_wait3A_114 = tpu.memref_slice %arg12[%dma_wait3A_112, %dma_wait3A_113] : memref<10112x128xf32, #tpu.memory_space<vmem_shared>> -> memref<10112x128xf32, #tpu.memory_space<vmem_shared>>
          tpu.wait_indirect_dma semaphore(%arg15 : memref<!tpu.dma_semaphore, #tpu.memory_space<semaphore_mem>>) src(%arg9 : memref<128x128xf32, #tpu.memory_space<vmem>>) dst(%dma_wait3A_114 : memref<10112x128xf32, #tpu.memory_space<vmem_shared>>)
          %dma_wait3A_115 = arith.constant 0 : i32
          %dma_wait3A_116 = tpu.memref_slice %arg8[%add3A_77, %dma_wait3A_115] : memref<64x128xi32, #tpu.memory_space<vmem>> -> memref<1x128xi32, #tpu.memory_space<vmem>>
          %dma_wait3A_117 = tpu.memref_squeeze %dma_wait3A_116 : memref<1x128xi32, #tpu.memory_space<vmem>> -> memref<128xi32, #tpu.memory_space<vmem>>
          %dma_wait3A_118 = arith.constant 0 : i32
          %dma_wait3A_119 = tpu.memref_slice %arg13[%dma_wait3A_118] : memref<10112xf32, #tpu.memory_space<vmem_shared>> -> memref<10112xf32, #tpu.memory_space<vmem_shared>>
          tpu.wait_indirect_dma semaphore(%arg15 : memref<!tpu.dma_semaphore, #tpu.memory_space<semaphore_mem>>) src(%arg11 : memref<128xf32, #tpu.memory_space<vmem>>) dst(%dma_wait3A_119 : memref<10112xf32, #tpu.memory_space<vmem_shared>>)
        } else {
        }
        %add3A_99 = arith.constant 2 : i32
        %add3A_100 = arith.addi %add3A_77, %add3A_99 : i32
        %lt3A_101 = arith.constant 64 : i32
        %lt3A_102 = arith.cmpi slt, %add3A_100, %lt3A_101 : i32
        %add3A_103 = arith.constant 2 : i32
        %add3A_104 = arith.addi %add3A_77, %add3A_103 : i32
        %lt3A_105 = arith.cmpi slt, %add3A_104, %sub3A_35 : i32
        %and3A_106 = arith.andi %lt3A_102, %lt3A_105 : i1
        %convert_element_type3A_107 = arith.extui %and3A_106 : i1 to i32
        %cond3A_108 = arith.constant 0 : i32
        %cond3A_109 = arith.cmpi ne, %convert_element_type3A_107, %cond3A_108 : i32
        scf.if %cond3A_109 {
          %add3A_110 = arith.constant 2 : i32
          %add3A_111 = arith.addi %add3A_77, %add3A_110 : i32
          %dma_start3A = arith.constant 0 : i32
          %dma_start3A_112 = tpu.memref_slice %arg7[%add3A_111, %dma_start3A] : memref<64x128xi32, #tpu.memory_space<vmem>> -> memref<1x128xi32, #tpu.memory_space<vmem>>
          %dma_start3A_113 = tpu.memref_squeeze %dma_start3A_112 : memref<1x128xi32, #tpu.memory_space<vmem>> -> memref<128xi32, #tpu.memory_space<vmem>>
          %dma_start3A_114 = arith.constant 0 : i32
          %dma_start3A_115 = arith.constant 0 : i32
          %dma_start3A_116 = tpu.memref_slice %arg4[%dma_start3A_114, %dma_start3A_115] : memref<10000x128xf32, #tpu.memory_space<hbm>> -> memref<10000x128xf32, #tpu.memory_space<hbm>>
          tpu.enqueue_indirect_dma source(%dma_start3A_116 : memref<10000x128xf32, #tpu.memory_space<hbm>>) target(%arg9 : memref<128x128xf32, #tpu.memory_space<vmem>>) offsets(%dma_start3A_113 : memref<128xi32, #tpu.memory_space<vmem>>) semaphore(%arg14 : memref<!tpu.dma_semaphore, #tpu.memory_space<semaphore_mem>>)
        } else {
        }
      }
      %scan3A_44 = arith.constant 32 : i32
      %gt3A_45 = arith.constant 63 : i32
      %gt3A_46 = arith.cmpi sgt, %sub3A_35, %gt3A_45 : i32
      %convert_element_type3A_47 = arith.extui %gt3A_46 : i1 to i32
      %cond3A_48 = arith.constant 0 : i32
      %cond3A_49 = arith.cmpi ne, %convert_element_type3A_47, %cond3A_48 : i32
      scf.if %cond3A_49 {
        %dma_wait3A = arith.constant 63 : i32
        %dma_wait3A_73 = arith.constant 0 : i32
        %dma_wait3A_74 = tpu.memref_slice %arg8[%dma_wait3A, %dma_wait3A_73] : memref<64x128xi32, #tpu.memory_space<vmem>> -> memref<1x128xi32, #tpu.memory_space<vmem>>
        %dma_wait3A_75 = tpu.memref_squeeze %dma_wait3A_74 : memref<1x128xi32, #tpu.memory_space<vmem>> -> memref<128xi32, #tpu.memory_space<vmem>>
        %dma_wait3A_76 = arith.constant 0 : i32
        %dma_wait3A_77 = arith.constant 0 : i32
        %dma_wait3A_78 = tpu.memref_slice %arg12[%dma_wait3A_76, %dma_wait3A_77] : memref<10112x128xf32, #tpu.memory_space<vmem_shared>> -> memref<10112x128xf32, #tpu.memory_space<vmem_shared>>
        tpu.wait_indirect_dma semaphore(%arg16 : memref<!tpu.dma_semaphore, #tpu.memory_space<semaphore_mem>>) src(%arg10 : memref<128x128xf32, #tpu.memory_space<vmem>>) dst(%dma_wait3A_78 : memref<10112x128xf32, #tpu.memory_space<vmem_shared>>)
        %dma_wait3A_79 = arith.constant 63 : i32
        %dma_wait3A_80 = arith.constant 0 : i32
        %dma_wait3A_81 = tpu.memref_slice %arg8[%dma_wait3A_79, %dma_wait3A_80] : memref<64x128xi32, #tpu.memory_space<vmem>> -> memref<1x128xi32, #tpu.memory_space<vmem>>
        %dma_wait3A_82 = tpu.memref_squeeze %dma_wait3A_81 : memref<1x128xi32, #tpu.memory_space<vmem>> -> memref<128xi32, #tpu.memory_space<vmem>>
        %dma_wait3A_83 = arith.constant 0 : i32
        %dma_wait3A_84 = tpu.memref_slice %arg13[%dma_wait3A_83] : memref<10112xf32, #tpu.memory_space<vmem_shared>> -> memref<10112xf32, #tpu.memory_space<vmem_shared>>
        tpu.wait_indirect_dma semaphore(%arg16 : memref<!tpu.dma_semaphore, #tpu.memory_space<semaphore_mem>>) src(%arg11 : memref<128xf32, #tpu.memory_space<vmem>>) dst(%dma_wait3A_84 : memref<10112xf32, #tpu.memory_space<vmem_shared>>)
      } else {
      }
      %mul3A_50 = arith.constant 80 : i32
      %mul3A_51 = arith.muli %arg1, %mul3A_50 : i32
      %add3A_52 = arith.constant 1280 : i32
      %add3A_53 = arith.addi %add3A_52, %mul3A_51 : i32
      %add3A_54 = arith.constant 64 : i32
      %add3A_55 = arith.addi %add3A_53, %add3A_54 : i32
      %sub3A_56 = arith.constant 2500 : i32
      %sub3A_57 = arith.subi %sub3A_56, %add3A_55 : i32
      "tpu.region"() ({
        %run_scoped3A = tpu.sem_alloc : memref<!tpu.dma_semaphore, #tpu.memory_space<semaphore_mem>>
        %dma_start3A = arith.constant 0 : i32
        %dma_start3A_73 = arith.constant 0 : i32
        %dma_start3A_74 = tpu.memref_slice %arg7[%dma_start3A, %dma_start3A_73] : memref<64x128xi32, #tpu.memory_space<vmem>> -> memref<16x128xi32, #tpu.memory_space<vmem>>
        %dma_start3A_75 = arith.constant 0 : i32
        %dma_start3A_76 = tpu.memref_slice %arg2[%add3A_55, %dma_start3A_75] : memref<2560x128xi32, #tpu.memory_space<hbm>> -> memref<16x128xi32, #tpu.memory_space<hbm>>
        %dma_start3A_77 = arith.constant 0 : i32
        %dma_start3A_78 = arith.constant 0 : i32
        %dma_start3A_79 = tpu.memref_slice %arg7[%dma_start3A_77, %dma_start3A_78] : memref<64x128xi32, #tpu.memory_space<vmem>> -> memref<16x128xi32, #tpu.memory_space<vmem>>
        %dma_start3A_80 = arith.constant 0 : i32
        %dma_start3A_81 = tpu.memref_slice %arg2[%add3A_55, %dma_start3A_80] : memref<2560x128xi32, #tpu.memory_space<hbm>> -> memref<16x128xi32, #tpu.memory_space<hbm>>
        tpu.enqueue_dma source(%dma_start3A_81 : memref<16x128xi32, #tpu.memory_space<hbm>>) target(%dma_start3A_79 : memref<16x128xi32, #tpu.memory_space<vmem>>) target_semaphore(%run_scoped3A : memref<!tpu.dma_semaphore, #tpu.memory_space<semaphore_mem>>)
        %dma_wait3A = arith.constant 0 : i32
        %dma_wait3A_82 = arith.constant 0 : i32
        %dma_wait3A_83 = tpu.memref_slice %arg7[%dma_wait3A, %dma_wait3A_82] : memref<64x128xi32, #tpu.memory_space<vmem>> -> memref<16x128xi32, #tpu.memory_space<vmem>>
        %dma_wait3A_84 = arith.constant 0 : i32
        %dma_wait3A_85 = tpu.memref_slice %arg2[%add3A_55, %dma_wait3A_84] : memref<2560x128xi32, #tpu.memory_space<hbm>> -> memref<16x128xi32, #tpu.memory_space<hbm>>
        %dma_wait3A_86 = arith.constant 0 : i32
        %dma_wait3A_87 = arith.constant 0 : i32
        %dma_wait3A_88 = tpu.memref_slice %arg7[%dma_wait3A_86, %dma_wait3A_87] : memref<64x128xi32, #tpu.memory_space<vmem>> -> memref<16x128xi32, #tpu.memory_space<vmem>>
        %dma_wait3A_89 = arith.constant 0 : i32
        %dma_wait3A_90 = tpu.memref_slice %arg2[%add3A_55, %dma_wait3A_89] : memref<2560x128xi32, #tpu.memory_space<hbm>> -> memref<16x128xi32, #tpu.memory_space<hbm>>
        tpu.wait_dma2 semaphore(%run_scoped3A : memref<!tpu.dma_semaphore, #tpu.memory_space<semaphore_mem>>) src(%dma_wait3A_90 : memref<16x128xi32, #tpu.memory_space<hbm>>) dst(%dma_wait3A_88 : memref<16x128xi32, #tpu.memory_space<vmem>>)
        tpu.yield
      }) : () -> ()
      "tpu.region"() ({
        %run_scoped3A = tpu.sem_alloc : memref<!tpu.dma_semaphore, #tpu.memory_space<semaphore_mem>>
        %dma_start3A = arith.constant 0 : i32
        %dma_start3A_73 = arith.constant 0 : i32
        %dma_start3A_74 = tpu.memref_slice %arg8[%dma_start3A, %dma_start3A_73] : memref<64x128xi32, #tpu.memory_space<vmem>> -> memref<16x128xi32, #tpu.memory_space<vmem>>
        %dma_start3A_75 = arith.constant 0 : i32
        %dma_start3A_76 = tpu.memref_slice %arg3[%add3A_55, %dma_start3A_75] : memref<2560x128xi32, #tpu.memory_space<hbm>> -> memref<16x128xi32, #tpu.memory_space<hbm>>
        %dma_start3A_77 = arith.constant 0 : i32
        %dma_start3A_78 = arith.constant 0 : i32
        %dma_start3A_79 = tpu.memref_slice %arg8[%dma_start3A_77, %dma_start3A_78] : memref<64x128xi32, #tpu.memory_space<vmem>> -> memref<16x128xi32, #tpu.memory_space<vmem>>
        %dma_start3A_80 = arith.constant 0 : i32
        %dma_start3A_81 = tpu.memref_slice %arg3[%add3A_55, %dma_start3A_80] : memref<2560x128xi32, #tpu.memory_space<hbm>> -> memref<16x128xi32, #tpu.memory_space<hbm>>
        tpu.enqueue_dma source(%dma_start3A_81 : memref<16x128xi32, #tpu.memory_space<hbm>>) target(%dma_start3A_79 : memref<16x128xi32, #tpu.memory_space<vmem>>) target_semaphore(%run_scoped3A : memref<!tpu.dma_semaphore, #tpu.memory_space<semaphore_mem>>)
        %dma_wait3A = arith.constant 0 : i32
        %dma_wait3A_82 = arith.constant 0 : i32
        %dma_wait3A_83 = tpu.memref_slice %arg8[%dma_wait3A, %dma_wait3A_82] : memref<64x128xi32, #tpu.memory_space<vmem>> -> memref<16x128xi32, #tpu.memory_space<vmem>>
        %dma_wait3A_84 = arith.constant 0 : i32
        %dma_wait3A_85 = tpu.memref_slice %arg3[%add3A_55, %dma_wait3A_84] : memref<2560x128xi32, #tpu.memory_space<hbm>> -> memref<16x128xi32, #tpu.memory_space<hbm>>
        %dma_wait3A_86 = arith.constant 0 : i32
        %dma_wait3A_87 = arith.constant 0 : i32
        %dma_wait3A_88 = tpu.memref_slice %arg8[%dma_wait3A_86, %dma_wait3A_87] : memref<64x128xi32, #tpu.memory_space<vmem>> -> memref<16x128xi32, #tpu.memory_space<vmem>>
        %dma_wait3A_89 = arith.constant 0 : i32
        %dma_wait3A_90 = tpu.memref_slice %arg3[%add3A_55, %dma_wait3A_89] : memref<2560x128xi32, #tpu.memory_space<hbm>> -> memref<16x128xi32, #tpu.memory_space<hbm>>
        tpu.wait_dma2 semaphore(%run_scoped3A : memref<!tpu.dma_semaphore, #tpu.memory_space<semaphore_mem>>) src(%dma_wait3A_90 : memref<16x128xi32, #tpu.memory_space<hbm>>) dst(%dma_wait3A_88 : memref<16x128xi32, #tpu.memory_space<vmem>>)
        tpu.yield
      }) : () -> ()
      %gt3A_58 = arith.constant 0 : i32
      %gt3A_59 = arith.cmpi sgt, %sub3A_57, %gt3A_58 : i32
      %convert_element_type3A_60 = arith.extui %gt3A_59 : i1 to i32
      %cond3A_61 = arith.constant 0 : i32
      %cond3A_62 = arith.cmpi ne, %convert_element_type3A_60, %cond3A_61 : i32
      scf.if %cond3A_62 {
        %dma_start3A = arith.constant 0 : i32
        %dma_start3A_73 = arith.constant 0 : i32
        %dma_start3A_74 = tpu.memref_slice %arg7[%dma_start3A, %dma_start3A_73] : memref<64x128xi32, #tpu.memory_space<vmem>> -> memref<1x128xi32, #tpu.memory_space<vmem>>
        %dma_start3A_75 = tpu.memref_squeeze %dma_start3A_74 : memref<1x128xi32, #tpu.memory_space<vmem>> -> memref<128xi32, #tpu.memory_space<vmem>>
        %dma_start3A_76 = arith.constant 0 : i32
        %dma_start3A_77 = arith.constant 0 : i32
        %dma_start3A_78 = tpu.memref_slice %arg4[%dma_start3A_76, %dma_start3A_77] : memref<10000x128xf32, #tpu.memory_space<hbm>> -> memref<10000x128xf32, #tpu.memory_space<hbm>>
        tpu.enqueue_indirect_dma source(%dma_start3A_78 : memref<10000x128xf32, #tpu.memory_space<hbm>>) target(%arg9 : memref<128x128xf32, #tpu.memory_space<vmem>>) offsets(%dma_start3A_75 : memref<128xi32, #tpu.memory_space<vmem>>) semaphore(%arg14 : memref<!tpu.dma_semaphore, #tpu.memory_space<semaphore_mem>>)
      } else {
      }
      %scan3A_63 = arith.constant 0 : i32
      %scan3A_64 = arith.constant 8 : i32
      %scan3A_65 = arith.addi %scan3A_63, %scan3A_64 : i32
      %scan3A_66 = arith.constant 1 : i32
      scf.for %scan3A_73 = %scan3A_63 to %scan3A_65 step %scan3A_66  : i32 {
        %mul3A_74 = arith.constant 2 : i32
        %mul3A_75 = arith.muli %scan3A_73, %mul3A_74 : i32
        %add3A_76 = arith.constant 0 : i32
        %add3A_77 = arith.addi %add3A_76, %mul3A_75 : i32
        %lt3A = arith.cmpi slt, %add3A_77, %sub3A_57 : i32
        %convert_element_type3A_78 = arith.extui %lt3A : i1 to i32
        %cond3A_79 = arith.constant 0 : i32
        %cond3A_80 = arith.cmpi ne, %convert_element_type3A_78, %cond3A_79 : i32
        scf.if %cond3A_80 {
          %dma_wait3A = arith.constant 0 : i32
          %dma_wait3A_110 = tpu.memref_slice %arg7[%add3A_77, %dma_wait3A] : memref<64x128xi32, #tpu.memory_space<vmem>> -> memref<1x128xi32, #tpu.memory_space<vmem>>
          %dma_wait3A_111 = tpu.memref_squeeze %dma_wait3A_110 : memref<1x128xi32, #tpu.memory_space<vmem>> -> memref<128xi32, #tpu.memory_space<vmem>>
          %dma_wait3A_112 = arith.constant 0 : i32
          %dma_wait3A_113 = arith.constant 0 : i32
          %dma_wait3A_114 = tpu.memref_slice %arg4[%dma_wait3A_112, %dma_wait3A_113] : memref<10000x128xf32, #tpu.memory_space<hbm>> -> memref<10000x128xf32, #tpu.memory_space<hbm>>
          tpu.wait_indirect_dma semaphore(%arg14 : memref<!tpu.dma_semaphore, #tpu.memory_space<semaphore_mem>>) src(%dma_wait3A_114 : memref<10000x128xf32, #tpu.memory_space<hbm>>) dst(%arg9 : memref<128x128xf32, #tpu.memory_space<vmem>>)
          %dma_start3A = arith.constant 0 : i32
          %dma_start3A_115 = tpu.memref_slice %arg8[%add3A_77, %dma_start3A] : memref<64x128xi32, #tpu.memory_space<vmem>> -> memref<1x128xi32, #tpu.memory_space<vmem>>
          %dma_start3A_116 = tpu.memref_squeeze %dma_start3A_115 : memref<1x128xi32, #tpu.memory_space<vmem>> -> memref<128xi32, #tpu.memory_space<vmem>>
          %dma_start3A_117 = arith.constant 0 : i32
          %dma_start3A_118 = arith.constant 0 : i32
          %dma_start3A_119 = tpu.memref_slice %arg12[%dma_start3A_117, %dma_start3A_118] : memref<10112x128xf32, #tpu.memory_space<vmem_shared>> -> memref<10112x128xf32, #tpu.memory_space<vmem_shared>>
          tpu.enqueue_indirect_dma source(%arg9 : memref<128x128xf32, #tpu.memory_space<vmem>>) target(%dma_start3A_119 : memref<10112x128xf32, #tpu.memory_space<vmem_shared>>) offsets(%dma_start3A_116 : memref<128xi32, #tpu.memory_space<vmem>>) semaphore(%arg15 : memref<!tpu.dma_semaphore, #tpu.memory_space<semaphore_mem>>) {add = true}
          %dma_start3A_120 = arith.constant 0 : i32
          %dma_start3A_121 = tpu.memref_slice %arg8[%add3A_77, %dma_start3A_120] : memref<64x128xi32, #tpu.memory_space<vmem>> -> memref<1x128xi32, #tpu.memory_space<vmem>>
          %dma_start3A_122 = tpu.memref_squeeze %dma_start3A_121 : memref<1x128xi32, #tpu.memory_space<vmem>> -> memref<128xi32, #tpu.memory_space<vmem>>
          %dma_start3A_123 = arith.constant 0 : i32
          %dma_start3A_124 = tpu.memref_slice %arg13[%dma_start3A_123] : memref<10112xf32, #tpu.memory_space<vmem_shared>> -> memref<10112xf32, #tpu.memory_space<vmem_shared>>
          tpu.enqueue_indirect_dma source(%arg11 : memref<128xf32, #tpu.memory_space<vmem>>) target(%dma_start3A_124 : memref<10112xf32, #tpu.memory_space<vmem_shared>>) offsets(%dma_start3A_122 : memref<128xi32, #tpu.memory_space<vmem>>) semaphore(%arg15 : memref<!tpu.dma_semaphore, #tpu.memory_space<semaphore_mem>>) {add = true}
        } else {
        }
        %gt3A_81 = arith.constant 0 : i32
        %gt3A_82 = arith.cmpi sgt, %add3A_77, %gt3A_81 : i32
        %sub3A_83 = arith.constant 1 : i32
        %sub3A_84 = arith.subi %add3A_77, %sub3A_83 : i32
        %lt3A_85 = arith.cmpi slt, %sub3A_84, %sub3A_57 : i32
        %and3A = arith.andi %gt3A_82, %lt3A_85 : i1
        %convert_element_type3A_86 = arith.extui %and3A : i1 to i32
        %cond3A_87 = arith.constant 0 : i32
        %cond3A_88 = arith.cmpi ne, %convert_element_type3A_86, %cond3A_87 : i32
        scf.if %cond3A_88 {
          %sub3A_110 = arith.constant 1 : i32
          %sub3A_111 = arith.subi %add3A_77, %sub3A_110 : i32
          %dma_wait3A = arith.constant 0 : i32
          %dma_wait3A_112 = tpu.memref_slice %arg8[%sub3A_111, %dma_wait3A] : memref<64x128xi32, #tpu.memory_space<vmem>> -> memref<1x128xi32, #tpu.memory_space<vmem>>
          %dma_wait3A_113 = tpu.memref_squeeze %dma_wait3A_112 : memref<1x128xi32, #tpu.memory_space<vmem>> -> memref<128xi32, #tpu.memory_space<vmem>>
          %dma_wait3A_114 = arith.constant 0 : i32
          %dma_wait3A_115 = arith.constant 0 : i32
          %dma_wait3A_116 = tpu.memref_slice %arg12[%dma_wait3A_114, %dma_wait3A_115] : memref<10112x128xf32, #tpu.memory_space<vmem_shared>> -> memref<10112x128xf32, #tpu.memory_space<vmem_shared>>
          tpu.wait_indirect_dma semaphore(%arg16 : memref<!tpu.dma_semaphore, #tpu.memory_space<semaphore_mem>>) src(%arg10 : memref<128x128xf32, #tpu.memory_space<vmem>>) dst(%dma_wait3A_116 : memref<10112x128xf32, #tpu.memory_space<vmem_shared>>)
          %dma_wait3A_117 = arith.constant 0 : i32
          %dma_wait3A_118 = tpu.memref_slice %arg8[%sub3A_111, %dma_wait3A_117] : memref<64x128xi32, #tpu.memory_space<vmem>> -> memref<1x128xi32, #tpu.memory_space<vmem>>
          %dma_wait3A_119 = tpu.memref_squeeze %dma_wait3A_118 : memref<1x128xi32, #tpu.memory_space<vmem>> -> memref<128xi32, #tpu.memory_space<vmem>>
          %dma_wait3A_120 = arith.constant 0 : i32
          %dma_wait3A_121 = tpu.memref_slice %arg13[%dma_wait3A_120] : memref<10112xf32, #tpu.memory_space<vmem_shared>> -> memref<10112xf32, #tpu.memory_space<vmem_shared>>
          tpu.wait_indirect_dma semaphore(%arg16 : memref<!tpu.dma_semaphore, #tpu.memory_space<semaphore_mem>>) src(%arg11 : memref<128xf32, #tpu.memory_space<vmem>>) dst(%dma_wait3A_121 : memref<10112xf32, #tpu.memory_space<vmem_shared>>)
        } else {
        }
        %add3A_89 = arith.constant 1 : i32
        %add3A_90 = arith.addi %add3A_77, %add3A_89 : i32
        %lt3A_91 = arith.cmpi slt, %add3A_90, %sub3A_57 : i32
        %convert_element_type3A_92 = arith.extui %lt3A_91 : i1 to i32
        %cond3A_93 = arith.constant 0 : i32
        %cond3A_94 = arith.cmpi ne, %convert_element_type3A_92, %cond3A_93 : i32
        scf.if %cond3A_94 {
          %add3A_110 = arith.constant 1 : i32
          %add3A_111 = arith.addi %add3A_77, %add3A_110 : i32
          %dma_start3A = arith.constant 0 : i32
          %dma_start3A_112 = tpu.memref_slice %arg7[%add3A_111, %dma_start3A] : memref<64x128xi32, #tpu.memory_space<vmem>> -> memref<1x128xi32, #tpu.memory_space<vmem>>
          %dma_start3A_113 = tpu.memref_squeeze %dma_start3A_112 : memref<1x128xi32, #tpu.memory_space<vmem>> -> memref<128xi32, #tpu.memory_space<vmem>>
          %dma_start3A_114 = arith.constant 0 : i32
          %dma_start3A_115 = arith.constant 0 : i32
          %dma_start3A_116 = tpu.memref_slice %arg4[%dma_start3A_114, %dma_start3A_115] : memref<10000x128xf32, #tpu.memory_space<hbm>> -> memref<10000x128xf32, #tpu.memory_space<hbm>>
          tpu.enqueue_indirect_dma source(%dma_start3A_116 : memref<10000x128xf32, #tpu.memory_space<hbm>>) target(%arg10 : memref<128x128xf32, #tpu.memory_space<vmem>>) offsets(%dma_start3A_113 : memref<128xi32, #tpu.memory_space<vmem>>) semaphore(%arg14 : memref<!tpu.dma_semaphore, #tpu.memory_space<semaphore_mem>>)
          %add3A_117 = arith.constant 1 : i32
          %add3A_118 = arith.addi %add3A_77, %add3A_117 : i32
          %dma_wait3A = arith.constant 0 : i32
          %dma_wait3A_119 = tpu.memref_slice %arg7[%add3A_118, %dma_wait3A] : memref<64x128xi32, #tpu.memory_space<vmem>> -> memref<1x128xi32, #tpu.memory_space<vmem>>
          %dma_wait3A_120 = tpu.memref_squeeze %dma_wait3A_119 : memref<1x128xi32, #tpu.memory_space<vmem>> -> memref<128xi32, #tpu.memory_space<vmem>>
          %dma_wait3A_121 = arith.constant 0 : i32
          %dma_wait3A_122 = arith.constant 0 : i32
          %dma_wait3A_123 = tpu.memref_slice %arg4[%dma_wait3A_121, %dma_wait3A_122] : memref<10000x128xf32, #tpu.memory_space<hbm>> -> memref<10000x128xf32, #tpu.memory_space<hbm>>
          tpu.wait_indirect_dma semaphore(%arg14 : memref<!tpu.dma_semaphore, #tpu.memory_space<semaphore_mem>>) src(%dma_wait3A_123 : memref<10000x128xf32, #tpu.memory_space<hbm>>) dst(%arg10 : memref<128x128xf32, #tpu.memory_space<vmem>>)
          %add3A_124 = arith.constant 1 : i32
          %add3A_125 = arith.addi %add3A_77, %add3A_124 : i32
          %dma_start3A_126 = arith.constant 0 : i32
          %dma_start3A_127 = tpu.memref_slice %arg8[%add3A_125, %dma_start3A_126] : memref<64x128xi32, #tpu.memory_space<vmem>> -> memref<1x128xi32, #tpu.memory_space<vmem>>
          %dma_start3A_128 = tpu.memref_squeeze %dma_start3A_127 : memref<1x128xi32, #tpu.memory_space<vmem>> -> memref<128xi32, #tpu.memory_space<vmem>>
          %dma_start3A_129 = arith.constant 0 : i32
          %dma_start3A_130 = arith.constant 0 : i32
          %dma_start3A_131 = tpu.memref_slice %arg12[%dma_start3A_129, %dma_start3A_130] : memref<10112x128xf32, #tpu.memory_space<vmem_shared>> -> memref<10112x128xf32, #tpu.memory_space<vmem_shared>>
          tpu.enqueue_indirect_dma source(%arg10 : memref<128x128xf32, #tpu.memory_space<vmem>>) target(%dma_start3A_131 : memref<10112x128xf32, #tpu.memory_space<vmem_shared>>) offsets(%dma_start3A_128 : memref<128xi32, #tpu.memory_space<vmem>>) semaphore(%arg16 : memref<!tpu.dma_semaphore, #tpu.memory_space<semaphore_mem>>) {add = true}
          %dma_start3A_132 = arith.constant 0 : i32
          %dma_start3A_133 = tpu.memref_slice %arg8[%add3A_125, %dma_start3A_132] : memref<64x128xi32, #tpu.memory_space<vmem>> -> memref<1x128xi32, #tpu.memory_space<vmem>>
          %dma_start3A_134 = tpu.memref_squeeze %dma_start3A_133 : memref<1x128xi32, #tpu.memory_space<vmem>> -> memref<128xi32, #tpu.memory_space<vmem>>
          %dma_start3A_135 = arith.constant 0 : i32
          %dma_start3A_136 = tpu.memref_slice %arg13[%dma_start3A_135] : memref<10112xf32, #tpu.memory_space<vmem_shared>> -> memref<10112xf32, #tpu.memory_space<vmem_shared>>
          tpu.enqueue_indirect_dma source(%arg11 : memref<128xf32, #tpu.memory_space<vmem>>) target(%dma_start3A_136 : memref<10112xf32, #tpu.memory_space<vmem_shared>>) offsets(%dma_start3A_134 : memref<128xi32, #tpu.memory_space<vmem>>) semaphore(%arg16 : memref<!tpu.dma_semaphore, #tpu.memory_space<semaphore_mem>>) {add = true}
        } else {
        }
        %lt3A_95 = arith.cmpi slt, %add3A_77, %sub3A_57 : i32
        %convert_element_type3A_96 = arith.extui %lt3A_95 : i1 to i32
        %cond3A_97 = arith.constant 0 : i32
        %cond3A_98 = arith.cmpi ne, %convert_element_type3A_96, %cond3A_97 : i32
        scf.if %cond3A_98 {
          %dma_wait3A = arith.constant 0 : i32
          %dma_wait3A_110 = tpu.memref_slice %arg8[%add3A_77, %dma_wait3A] : memref<64x128xi32, #tpu.memory_space<vmem>> -> memref<1x128xi32, #tpu.memory_space<vmem>>
          %dma_wait3A_111 = tpu.memref_squeeze %dma_wait3A_110 : memref<1x128xi32, #tpu.memory_space<vmem>> -> memref<128xi32, #tpu.memory_space<vmem>>
          %dma_wait3A_112 = arith.constant 0 : i32
          %dma_wait3A_113 = arith.constant 0 : i32
          %dma_wait3A_114 = tpu.memref_slice %arg12[%dma_wait3A_112, %dma_wait3A_113] : memref<10112x128xf32, #tpu.memory_space<vmem_shared>> -> memref<10112x128xf32, #tpu.memory_space<vmem_shared>>
          tpu.wait_indirect_dma semaphore(%arg15 : memref<!tpu.dma_semaphore, #tpu.memory_space<semaphore_mem>>) src(%arg9 : memref<128x128xf32, #tpu.memory_space<vmem>>) dst(%dma_wait3A_114 : memref<10112x128xf32, #tpu.memory_space<vmem_shared>>)
          %dma_wait3A_115 = arith.constant 0 : i32
          %dma_wait3A_116 = tpu.memref_slice %arg8[%add3A_77, %dma_wait3A_115] : memref<64x128xi32, #tpu.memory_space<vmem>> -> memref<1x128xi32, #tpu.memory_space<vmem>>
          %dma_wait3A_117 = tpu.memref_squeeze %dma_wait3A_116 : memref<1x128xi32, #tpu.memory_space<vmem>> -> memref<128xi32, #tpu.memory_space<vmem>>
          %dma_wait3A_118 = arith.constant 0 : i32
          %dma_wait3A_119 = tpu.memref_slice %arg13[%dma_wait3A_118] : memref<10112xf32, #tpu.memory_space<vmem_shared>> -> memref<10112xf32, #tpu.memory_space<vmem_shared>>
          tpu.wait_indirect_dma semaphore(%arg15 : memref<!tpu.dma_semaphore, #tpu.memory_space<semaphore_mem>>) src(%arg11 : memref<128xf32, #tpu.memory_space<vmem>>) dst(%dma_wait3A_119 : memref<10112xf32, #tpu.memory_space<vmem_shared>>)
        } else {
        }
        %add3A_99 = arith.constant 2 : i32
        %add3A_100 = arith.addi %add3A_77, %add3A_99 : i32
        %lt3A_101 = arith.constant 16 : i32
        %lt3A_102 = arith.cmpi slt, %add3A_100, %lt3A_101 : i32
        %add3A_103 = arith.constant 2 : i32
        %add3A_104 = arith.addi %add3A_77, %add3A_103 : i32
        %lt3A_105 = arith.cmpi slt, %add3A_104, %sub3A_57 : i32
        %and3A_106 = arith.andi %lt3A_102, %lt3A_105 : i1
        %convert_element_type3A_107 = arith.extui %and3A_106 : i1 to i32
        %cond3A_108 = arith.constant 0 : i32
        %cond3A_109 = arith.cmpi ne, %convert_element_type3A_107, %cond3A_108 : i32
        scf.if %cond3A_109 {
          %add3A_110 = arith.constant 2 : i32
          %add3A_111 = arith.addi %add3A_77, %add3A_110 : i32
          %dma_start3A = arith.constant 0 : i32
          %dma_start3A_112 = tpu.memref_slice %arg7[%add3A_111, %dma_start3A] : memref<64x128xi32, #tpu.memory_space<vmem>> -> memref<1x128xi32, #tpu.memory_space<vmem>>
          %dma_start3A_113 = tpu.memref_squeeze %dma_start3A_112 : memref<1x128xi32, #tpu.memory_space<vmem>> -> memref<128xi32, #tpu.memory_space<vmem>>
          %dma_start3A_114 = arith.constant 0 : i32
          %dma_start3A_115 = arith.constant 0 : i32
          %dma_start3A_116 = tpu.memref_slice %arg4[%dma_start3A_114, %dma_start3A_115] : memref<10000x128xf32, #tpu.memory_space<hbm>> -> memref<10000x128xf32, #tpu.memory_space<hbm>>
          tpu.enqueue_indirect_dma source(%dma_start3A_116 : memref<10000x128xf32, #tpu.memory_space<hbm>>) target(%arg9 : memref<128x128xf32, #tpu.memory_space<vmem>>) offsets(%dma_start3A_113 : memref<128xi32, #tpu.memory_space<vmem>>) semaphore(%arg14 : memref<!tpu.dma_semaphore, #tpu.memory_space<semaphore_mem>>)
        } else {
        }
      }
      %scan3A_67 = arith.constant 8 : i32
      %gt3A_68 = arith.constant 15 : i32
      %gt3A_69 = arith.cmpi sgt, %sub3A_57, %gt3A_68 : i32
      %convert_element_type3A_70 = arith.extui %gt3A_69 : i1 to i32
      %cond3A_71 = arith.constant 0 : i32
      %cond3A_72 = arith.cmpi ne, %convert_element_type3A_70, %cond3A_71 : i32
      scf.if %cond3A_72 {
        %dma_wait3A = arith.constant 15 : i32
        %dma_wait3A_73 = arith.constant 0 : i32
        %dma_wait3A_74 = tpu.memref_slice %arg8[%dma_wait3A, %dma_wait3A_73] : memref<64x128xi32, #tpu.memory_space<vmem>> -> memref<1x128xi32, #tpu.memory_space<vmem>>
        %dma_wait3A_75 = tpu.memref_squeeze %dma_wait3A_74 : memref<1x128xi32, #tpu.memory_space<vmem>> -> memref<128xi32, #tpu.memory_space<vmem>>
        %dma_wait3A_76 = arith.constant 0 : i32
        %dma_wait3A_77 = arith.constant 0 : i32
        %dma_wait3A_78 = tpu.memref_slice %arg12[%dma_wait3A_76, %dma_wait3A_77] : memref<10112x128xf32, #tpu.memory_space<vmem_shared>> -> memref<10112x128xf32, #tpu.memory_space<vmem_shared>>
        tpu.wait_indirect_dma semaphore(%arg16 : memref<!tpu.dma_semaphore, #tpu.memory_space<semaphore_mem>>) src(%arg10 : memref<128x128xf32, #tpu.memory_space<vmem>>) dst(%dma_wait3A_78 : memref<10112x128xf32, #tpu.memory_space<vmem_shared>>)
        %dma_wait3A_79 = arith.constant 15 : i32
        %dma_wait3A_80 = arith.constant 0 : i32
        %dma_wait3A_81 = tpu.memref_slice %arg8[%dma_wait3A_79, %dma_wait3A_80] : memref<64x128xi32, #tpu.memory_space<vmem>> -> memref<1x128xi32, #tpu.memory_space<vmem>>
        %dma_wait3A_82 = tpu.memref_squeeze %dma_wait3A_81 : memref<1x128xi32, #tpu.memory_space<vmem>> -> memref<128xi32, #tpu.memory_space<vmem>>
        %dma_wait3A_83 = arith.constant 0 : i32
        %dma_wait3A_84 = tpu.memref_slice %arg13[%dma_wait3A_83] : memref<10112xf32, #tpu.memory_space<vmem_shared>> -> memref<10112xf32, #tpu.memory_space<vmem_shared>>
        tpu.wait_indirect_dma semaphore(%arg16 : memref<!tpu.dma_semaphore, #tpu.memory_space<semaphore_mem>>) src(%arg11 : memref<128xf32, #tpu.memory_space<vmem>>) dst(%dma_wait3A_84 : memref<10112xf32, #tpu.memory_space<vmem_shared>>)
      } else {
      }
    } else {
    }
    "tpu.trace_stop"() : () -> ()
    %barrier3A_21 = arith.constant 0 : index
    tpu.barrier barrier_id(%barrier3A_21)
    "tpu.trace_start"() <{level = 10 : i32, message = "writeout"}> : () -> ()
    %mul3A = arith.constant 632 : i32
    %mul3A_22 = arith.muli %arg1, %mul3A : i32
    %mul3A_23 = arith.constant 632 : i32
    %mul3A_24 = arith.muli %arg1, %mul3A_23 : i32
    "tpu.region"() ({
      %run_scoped3A = tpu.sem_alloc : memref<!tpu.dma_semaphore, #tpu.memory_space<semaphore_mem>>
      %dma_start3A = arith.constant 0 : i32
      %dma_start3A_30 = tpu.memref_slice %arg5[%arg0, %mul3A_24, %dma_start3A] : memref<2x10240x128xf32, #tpu.memory_space<hbm>> -> memref<1x632x128xf32, #tpu.memory_space<hbm>>
      %dma_start3A_31 = tpu.memref_squeeze %dma_start3A_30 : memref<1x632x128xf32, #tpu.memory_space<hbm>> -> memref<632x128xf32, #tpu.memory_space<hbm>>
      %dma_start3A_32 = arith.constant 0 : i32
      %dma_start3A_33 = tpu.memref_slice %arg12[%mul3A_22, %dma_start3A_32] : memref<10112x128xf32, #tpu.memory_space<vmem_shared>> -> memref<632x128xf32, #tpu.memory_space<vmem_shared>>
      tpu.enqueue_dma source(%dma_start3A_33 : memref<632x128xf32, #tpu.memory_space<vmem_shared>>) target(%dma_start3A_31 : memref<632x128xf32, #tpu.memory_space<hbm>>) target_semaphore(%run_scoped3A : memref<!tpu.dma_semaphore, #tpu.memory_space<semaphore_mem>>)
      %dma_wait3A = arith.constant 0 : i32
      %dma_wait3A_34 = tpu.memref_slice %arg5[%arg0, %mul3A_24, %dma_wait3A] : memref<2x10240x128xf32, #tpu.memory_space<hbm>> -> memref<1x632x128xf32, #tpu.memory_space<hbm>>
      %dma_wait3A_35 = tpu.memref_squeeze %dma_wait3A_34 : memref<1x632x128xf32, #tpu.memory_space<hbm>> -> memref<632x128xf32, #tpu.memory_space<hbm>>
      %dma_wait3A_36 = arith.constant 0 : i32
      %dma_wait3A_37 = tpu.memref_slice %arg12[%mul3A_22, %dma_wait3A_36] : memref<10112x128xf32, #tpu.memory_space<vmem_shared>> -> memref<632x128xf32, #tpu.memory_space<vmem_shared>>
      tpu.wait_dma2 semaphore(%run_scoped3A : memref<!tpu.dma_semaphore, #tpu.memory_space<semaphore_mem>>) src(%dma_wait3A_37 : memref<632x128xf32, #tpu.memory_space<vmem_shared>>) dst(%dma_wait3A_35 : memref<632x128xf32, #tpu.memory_space<hbm>>)
      tpu.yield
    }) : () -> ()
    %eq3A_25 = arith.constant 0 : i32
    %eq3A_26 = arith.cmpi eq, %arg1, %eq3A_25 : i32
    %convert_element_type3A_27 = arith.extui %eq3A_26 : i1 to i32
    %cond3A_28 = arith.constant 0 : i32
    %cond3A_29 = arith.cmpi ne, %convert_element_type3A_27, %cond3A_28 : i32
    scf.if %cond3A_29 {
      "tpu.region"() ({
        %run_scoped3A = tpu.sem_alloc : memref<!tpu.dma_semaphore, #tpu.memory_space<semaphore_mem>>
        %dma_start3A = arith.constant 0 : i32
        %dma_start3A_30 = tpu.memref_slice %arg6[%arg0, %dma_start3A] : memref<2x10240xf32, #tpu.memory_space<hbm>> -> memref<1x10112xf32, #tpu.memory_space<hbm>>
        %dma_start3A_31 = tpu.memref_squeeze %dma_start3A_30 : memref<1x10112xf32, #tpu.memory_space<hbm>> -> memref<10112xf32, #tpu.memory_space<hbm>>
        tpu.enqueue_dma source(%arg13 : memref<10112xf32, #tpu.memory_space<vmem_shared>>) target(%dma_start3A_31 : memref<10112xf32, #tpu.memory_space<hbm>>) target_semaphore(%run_scoped3A : memref<!tpu.dma_semaphore, #tpu.memory_space<semaphore_mem>>)
        %dma_wait3A = arith.constant 0 : i32
        %dma_wait3A_32 = tpu.memref_slice %arg6[%arg0, %dma_wait3A] : memref<2x10240xf32, #tpu.memory_space<hbm>> -> memref<1x10112xf32, #tpu.memory_space<hbm>>
        %dma_wait3A_33 = tpu.memref_squeeze %dma_wait3A_32 : memref<1x10112xf32, #tpu.memory_space<hbm>> -> memref<10112xf32, #tpu.memory_space<hbm>>
        tpu.wait_dma2 semaphore(%run_scoped3A : memref<!tpu.dma_semaphore, #tpu.memory_space<semaphore_mem>>) src(%arg13 : memref<10112xf32, #tpu.memory_space<vmem_shared>>) dst(%dma_wait3A_33 : memref<10112xf32, #tpu.memory_space<hbm>>)
        tpu.yield
      }) : () -> ()
    } else {
    }
    "tpu.trace_stop"() : () -> ()
    return
  }
}

</mosaic_0001>

<sc_bundles>
// kernel: _sc_aggregate.3.cloned.1.call-start
scs
__scs_entry_jumppad:
0x0: {  	(pc) =	sbr.rel $0x88, $3  }
0x1: {  	(tag) =	ssettag $0x0;
	lr =	simm.s32 $0x1  }
0x2: {  	[smem:$0x3F9E] =	sst lr;
	_ =	strace $0xD0000000  }
0x3: {  	_ = 	snop  }
0x4: {  	_ = 	snop  }
0x5: {  	_ = 	snop  }
0x6: {  	_ = 	snop  }
0x7: {  	_ = 	snop  }
__scs_overlays_trampoline_lowered:
0x8: {  	[smem:$0x3FAD] =	sst s0  }
0x9: {  	[smem:$0x3FAE] =	sst s1  }
0xa: {  	[smem:$0x3FAF] =	sst s2  }
0xb: {  	[smem:$0x3FB0] =	sst s3  }
0xc: {  	[smem:$0x3FB1] =	sst s4  }
0xd: {  	[smem:$0x3FB2] =	sst s5  }
0xe: {  	[smem:$0x3FB3] =	sst s6  }
0xf: {  	[smem:$0x3FB4] =	sst s7  }
0x10: {  	[smem:$0x3FB5] =	sst s8  }
0x11: {  	[smem:$0x3FB6] =	sst s9;
	s0 =	simm.s32 @!p0 $0x0  }
0x12: {  	s1 =	sld [smem:$0x3F9C];
	s0 =	simm.s32 @p0 $0x1  }
0x13: {  	[smem:$0x3FB7] =	sst s0;
	s0 =	simm.s32 @!p1 $0x0  }
0x14: {  	s2 =	sld [smem:$0x3F9B];
	s0 =	simm.s32 @p1 $0x1  }
0x15: {  	[smem:$0x3FB8] =	sst s0;
	s0 =	simm.s32 @!p2 $0x0  }
0x16: {  	s3 =	sld [smem:$0x3FDB];
	s0 =	simm.s32 @p2 $0x1  }
0x17: {  	s4 =	simm.s32 $0x1BF5;
	[smem:$0x3FBA] =	sst s0  }
0x18: {  	s0 =	sld [smem:$0x3F9D];
	_ =	swait.ge [sflag:s4], $0x0  }
0x19: {  	s7 =	sld [smem:$0x3F9E]  }
0x1a: {  	s8 =	sadd.s32 $0xFFFFE003, lr  }
0x1b: {  	s9 =	sadd.s32 $0xFFFFFEF7, lr;
	s5 =	simm.s32 $0xFFFFFFFF;
	p2 =	slt.u32 s8, $0xFFFFF086  }
0x1c: {  	p1 =	slt.u32 s9, $0xF7A;
	s5 =	simm.s32 @!p2 $0x0  }
0x1d: {  	s5 =	simm.s32 @p1 $0x1;
	p0 =	seq.s32 s7, s2  }
0x1e: {  	s7 =	smul.u32 @!p0 $0xF7A, s2;
	p2 =	seq.s32 @!p0 s5, $0x0  }
0x1f: {  	s9 =	smul.u32 $0xF7A, s1;
	s8 =	simm.s32 @!p0 $0x1BF5;
	p2 =	por !p2, p0  }
0x20: {  	[sflag:s8] =	ssyncset.s32 @!p0 $0xFFFFF086;
	s6 =	sadd.s32 @!p0 s3, s7;
	s7 =	simm.s32 @!p0 $0x108  }
0x21: {  	s3 =	sadd.s32 s3, s9;
	s6 =	sadd.s32 @!p0 $0x88, s6;
	s7 =	simm.s32 @p2 $0x1082  }
0x22: {  	[simem:s7], [sflag:s8] =	dma.local @!p0 [hbm:s6], $0xF7A  }
0x23: {  	s9 =	sor.u32 $0xD0000000, s2;
	s6 =	simm.s32 $0x108;
	_ =	swait.ge @!p0 [sflag:s8], $0x0  }
0x24: {  	s3 =	sadd.s32 $0x88, s3;
	s6 =	simm.s32 @!p1 $0x1082;
	[sflag:s4] =	ssyncset.s32 $0xFFFFF086  }
0x25: {  	[simem:s6], [sflag:s4] =	dma.local [hbm:s3], $0xF7A  }
0x26: {  	[smem:$0x3F9E] =	sst s1;
	(tag) =	ssettag s2;
	_ =	strace s9  }
0x27: {  	s1 =	sld [smem:$0x3FAE]  }
0x28: {  	s2 =	sld [smem:$0x3FAF]  }
0x29: {  	s4 =	sld [smem:$0x3FB1]  }
0x2a: {  	p0 =	seq.s32 s5, $0x0;
	s5 =	sld [smem:$0x3FB2]  }
0x2b: {  	s6 =	sld [smem:$0x3FB3]  }
0x2c: {  	s7 =	sld [smem:$0x3FB4]  }
0x2d: {  	s3 =	simm.s32 $0x108;
	s8 =	sld [smem:$0x3FB5]  }
0x2e: {  	s3 =	simm.s32 @!p0 $0x1082;
	s9 =	sld [smem:$0x3FB6]  }
0x2f: {  	lr =	sadd.s32 s0, s3;
	s0 =	sld [smem:$0x3FAD]  }
0x30: {  	s3 =	sld [smem:$0x3FB0]  }
0x31: {  	[smem:$0x3FB9] =	sst s10  }
0x32: {  	s10 =	sld [smem:$0x3FB7];
	_ =	sdelay $0x3  }
0x33: {  	p0 =	seq.s32 s10, $0x1;
	s10 =	sld [smem:$0x3FB9];
	_ =	sdelay $0x3  }
0x34: {  	[smem:$0x3FB9] =	sst s10  }
0x35: {  	s10 =	sld [smem:$0x3FB8];
	_ =	sdelay $0x3  }
0x36: {  	p1 =	seq.s32 s10, $0x1;
	s10 =	sld [smem:$0x3FB9];
	_ =	sdelay $0x3  }
0x37: {  	[smem:$0x3FB9] =	sst s10  }
0x38: {  	s10 =	sld [smem:$0x3FBA]  }
0x39: {  	_ = 	snop;
	(pc) =	sbr.ind lr, $3  }
0x3a: {  	_ = 	snop  }
0x3b: {  	_ = 	snop  }
0x3c: {  	p2 =	seq.s32 s10, $0x1;
	s10 =	sld [smem:$0x3FB9]  }
0x3d: {  	_ =	shalt  }
0x3e: {  	_ =	shalt  }
0x3f: {  	_ =	shalt  }
0x40: {  	_ =	shalt  }
0x41: {  	_ =	shalt  }
0x42: {  	_ =	shalt  }
0x43: {  	_ =	shalt  }
0x44: {  	_ =	shalt  }
0x45: {  	_ =	shalt  }
0x46: {  	_ =	shalt  }
0x47: {  	_ =	shalt  }
0x48: {  	_ =	shalt  }
0x49: {  	_ =	shalt  }
0x4a: {  	_ =	shalt  }
0x4b: {  	_ =	shalt  }
0x4c: {  	_ =	shalt  }
0x4d: {  	_ =	shalt  }
0x4e: {  	_ =	shalt  }
0x4f: {  	_ =	shalt  }
0x50: {  	_ =	shalt  }
0x51: {  	_ =	shalt  }
0x52: {  	_ =	shalt  }
0x53: {  	_ =	shalt  }
0x54: {  	_ =	shalt  }
0x55: {  	_ =	shalt  }
0x56: {  	_ =	shalt  }
0x57: {  	_ =	shalt  }
0x58: {  	_ =	shalt  }
0x59: {  	_ =	shalt  }
0x5a: {  	_ =	shalt  }
0x5b: {  	_ =	shalt  }
0x5c: {  	_ =	shalt  }
0x5d: {  	_ =	shalt  }
0x5e: {  	_ =	shalt  }
0x5f: {  	_ =	shalt  }
0x60: {  	_ =	shalt  }
0x61: {  	_ =	shalt  }
0x62: {  	_ =	shalt  }
0x63: {  	_ =	shalt  }
0x64: {  	_ =	shalt  }
0x65: {  	_ =	shalt  }
0x66: {  	_ =	shalt  }
0x67: {  	_ =	shalt  }
0x68: {  	_ =	shalt  }
0x69: {  	_ =	shalt  }
0x6a: {  	_ =	shalt  }
0x6b: {  	_ =	shalt  }
0x6c: {  	_ =	shalt  }
0x6d: {  	_ =	shalt  }
0x6e: {  	_ =	shalt  }
0x6f: {  	_ =	shalt  }
0x70: {  	_ =	shalt  }
0x71: {  	_ =	shalt  }
0x72: {  	_ =	shalt  }
0x73: {  	_ =	shalt  }
0x74: {  	_ =	shalt  }
0x75: {  	_ =	shalt  }
0x76: {  	_ =	shalt  }
0x77: {  	_ =	shalt  }
0x78: {  	_ =	shalt  }
0x79: {  	_ =	shalt  }
0x7a: {  	_ =	shalt  }
0x7b: {  	_ =	shalt  }
0x7c: {  	_ =	shalt  }
0x7d: {  	_ =	shalt  }
0x7e: {  	_ =	shalt  }
0x7f: {  	_ =	shalt  }
0x80: {  	_ =	shalt  }
0x81: {  	_ =	shalt  }
0x82: {  	_ =	shalt  }
0x83: {  	_ =	shalt  }
0x84: {  	_ =	shalt  }
0x85: {  	_ =	shalt  }
0x86: {  	_ =	shalt  }
0x87: {  	_ =	shalt  }
.Lfunc_end0:
.L_simem_size_0:
called_computation_lowered:
.L_overlay_start_0:
0x88: {  	s2 =	sld [smem:$0x3FD9]  }
0x89: {  	s3 =	sld [smem:$0x3FFE];
	_ =	sdelay $0x1  }
0x8a: {  	s1 =	srdreg.scid  }
0x8b: {  	s0 =	sand.u32 $0x1, s1  }
0x8c: {  	s15 =	sshll.u32 s0, $0xA;
	s2 =	sadd.s32 s3, s2  }
0x8d: {  	s2 =	sadd.s32 s2, s15  }
0x8e: {  	[smem:$0x3FC5] =	sst s2  }
0x8f: {  	_ = 	snop  }
0x90: {  	s2 =	sld [smem:$0x3FD0]  }
0x91: {  	s16 =	sld [smem:$0x3FC9]  }
0x92: {  	s4 =	sld [smem:$0x3FC8]  }
0x93: {  	s6 =	simm.s32 $0xA;
	s7 =	simm.s32 $0x10;
	s5 =	sld [smem:$0x3FC7]  }
0x94: {  	[smem:s7], [sflag:s6] =	dma.local [hbm:s2], $0x1  }
0x95: {  	_ =	swait.eq [sflag:s6], $0x1  }
0x96: {  	[sflag:s6] =	ssyncset.done $0x0  }
0x97: {  	s17 =	sld [smem:$0x10];
	[sflag:s6] =	ssyncadd.s32 $0xFFFFFFFF  }
0x98: {  	s18 =	sld [smem:$0x11];
	(tm) =	ssettm $0x1  }
0x99: {  	s19 =	sld [smem:$0x3FFB];
	_ =	sdelay $0x3  }
0x9a: {  	_ =	strace s19  }
0x9b: {  	s7 =	sld [smem:$0x3FFC];
	_ =	sdelay $0x3  }
0x9c: {  	_ =	strace s7  }
0x9d: {  	s7 =	sld [smem:$0x3FFD];
	_ =	sdelay $0x3  }
0x9e: {  	_ =	strace s7  }
0x9f: {  	_ =	strace $0x8FFFFFFF  }
0xa0: {  	s20 =	sld [smem:$0x3FDB];
	_ =	sdelay $0x1  }
0xa1: {  	s8 =	simm.s32 $_scs_section_size  }
0xa2: {  	s9 =	simm.s32 $_size__tile_overlayer_lowered;
	s10 =	simm.s32 $_tile_overlayer_lowered  }
0xa3: {  	s23 =	simm.s32 $0x1BFF;
	s22 =	sshll.u32 s10, $0x1;
	s7 =	sadd.s32 s8, s20  }
0xa4: {  	s11 =	simm.s32 $0x0;
	s21 =	sshll.u32 s9, $0x1;
	s9 =	sadd.s32 s22, s7  }
0xa5: {  	[timem:s11], [sflag:s23] =	dma.local [hbm:s9], s21  }
0xa6: {  	_ =	swait.ge [sflag:s23], s21  }
0xa7: {  	s8 =	ssub.s32 $0x0, s21;
	[sflag:s23] =	ssyncset.done $0x0  }
0xa8: {  	[sflag:s23] =	ssyncadd.s32 s8;
	_ =	sdelay $0x1  }
0xa9: {  	s24 =	simm.s32 $0x1B8B  }
0xaa: {  	_ =	swait.ge [sflag:s24], $0x1  }
0xab: {  	[sflag:s24] =	ssyncset.done $0x0  }
0xac: {  	s25 =	simm.s32 $0x1B8E;
	[sflag:s24] =	ssyncadd.s32 $0xFFFFFFFF  }
0xad: {  	s26 =	simm.s32 $execute0_lowered;
	[smem:$0x3FD2] =	sst s25  }
0xae: {  	s8 =	sshll.u32 s26, $0x1;
	_ =	strace $0x80000046;
	[dreg:$0x1] =	wrdreg $0xFFFFFFFF  }
0xaf: {  	s28 =	simm.s32 $_size_execute0_lowered;
	s7 =	sadd.s32 s7, s8;
	[dreg:$0x0] =	wrdreg $0x0  }
0xb0: {  	s8 =	sshll.u32 s28, $0x1;
	[dreg:$0x2] =	wrdreg s7  }
0xb1: {  	[dreg:$0x3] =	wrdreg s8  }
0xb2: {  	[dreg:$0x4] =	wrdreg $0xC0  }
0xb3: {  	_ =	task [dreg:s11], $0x5FFFF  }
0xb4: {  	[dreg:$0x1] =	wrdreg $0xFFFFFFFF  }
0xb5: {  	[dreg:$0x0] =	wrdreg $0x60  }
0xb6: {  	[dreg:$0x2] =	wrdreg s16  }
0xb7: {  	[dreg:$0x3] =	wrdreg s4  }
0xb8: {  	[dreg:$0x4] =	wrdreg s5  }
0xb9: {  	[dreg:$0x5] =	wrdreg s17  }
0xba: {  	[dreg:$0x6] =	wrdreg s18  }
0xbb: {  	[dreg:$0x7] =	wrdreg $0xC0800  }
0xbc: {  	[dreg:$0x8] =	wrdreg $0x1FC800  }
0xbd: {  	[dreg:$0x9] =	wrdreg $0x9  }
0xbe: {  	_ =	task.clear_ibuf [dreg:s11], $0xAFFFF;
	_ =	strace $0x90000046  }
0xbf: {  	s29 =	simm.s32 $0x9;
	_ =	strace $0x8000004B  }
0xc0: {  	_ =	swait.ge [sflag:s29], $0x1  }
0xc1: {  	[sflag:s29] =	ssyncadd.s32 $0xFFFFFFFF  }
0xc2: {  	_ =	strace $0x9000004B  }
0xc3: {  	_ =	sfence  }
0xc4: {  	s30 =	sld [smem:$0x0];
	_ =	sdelay $0x2  }
0xc5: {  	s31 =	sshll.u32 s1, $0xD;
	s1 =	sshrl.u32 s1, $0x2  }
0xc6: {  	s3 =	sand.u32 $0x4000, s31;
	s1 =	sadd.s32 s1, s30  }
0xc7: {  	s0 =	sor.u32 s3, s0;
	s1 =	sshll.u32 s1, $0x11  }
0xc8: {  	s0 =	sor.u32 s1, s0  }
0xc9: {  	s0 =	sadd.s32 $0x8F2B, s0  }
0xca: {  	[sflag:s0] =	ssyncadd.remote.s32 $0x1  }
0xcb: {  	_ =	sfence.sel $0xFFFF  }
0xcc: {  	[dreg:$0x0] =	wrdreg $0xFFFFFFFF;
	(pc) =	sbr.abs _section_cstart, $3  }
0xcd: {  	[dreg:$0x1] =	wrdreg $0xFFFFFFFF  }
0xce: {  	_ =	task.clear_ibuf [dreg:s11], $0x2FFFF;
	_ =	strace $0x9FFFFFFF  }
0xcf: {  	(tm) =	ssettm $0x7FFFFFFF  }
tec
execute0_lowered:
.L_overlay_start_1:
0x0: {  	(tag) =	ssettag $0x1  }
0x1: {  	s1 =	rddreg [dreg:$0x0]  }
0x2: {  	s4 =	rddreg [dreg:$0x1]  }
0x3: {  	s0 =	rddreg [dreg:$0x2]  }
0x4: {  	s6 =	rddreg [dreg:$0x3]  }
0x5: {  	s7 =	rddreg [dreg:$0x4];
	s21 =	stileid.u32  }
0x6: {  	s2 =	rddreg [dreg:$0x5];
	s10 =	smul.u32 $0x500, s21  }
0x7: {  	s3 =	rddreg [dreg:$0x6];
	s12 =	smul.u32 $0x2800, s21  }
0x8: {  	s5 =	srdreg.scid;
	s17 =	simm.s32 $0x0;
	s19 =	smul.u32 $0x50, s21  }
0x9: {  	s31 =	simm.s32 $0x4000;
	s8 =	sand.u32 $0x1, s5;
	s16 =	smul.u32 $0x13C00, s21  }
0xa: {  	[smem:$0x7FF] =	sst s17;
	s22 =	smul.u32 $0x4F000, s21;
	p2 =	seq.s32 s21, $0xF  }
0xb: {  	p1 =	sne.s32 s21, $0x0;
	s9 =	ssub.s32 $0x2, s8;
	_ =	strace $0x80000047  }
0xc: {  	p3 =	seq.s32 s8, $0x1;
	s20 =	smul.u32 $0x140000, s8;
	s25 =	sshll.u32 s8, $0x4  }
0xd: {  	s11 =	sshrl.u32 s9, $0x1;
	s13 =	sadd.s32 s1, s10;
	s12 =	sshrl.u32 s12, $0x3  }
0xe: {  	s10 =	sadd.s32 s4, s10;
	s24 =	sshrl.u32 s22, $0x2;
	s9 =	ssub.s32 s9, s11  }
0xf: {  	s11 =	smul.u32 $0x278, s21;
	[dreg:$0x8] =	wrdreg s13;
	s18 =	sadd.s32 $0x400, s12  }
0x10: {  	[dreg:$0x9] =	wrdreg s10;
	s15 =	sadd.s32 $0x5000, s12;
	s14 =	sadd.s32 s1, s18  }
0x11: {  	s13 =	ssub.s32 $0x484, s19;
	s10 =	sadd.s32 s4, s18;
	[dreg:$0xa] =	wrdreg s14  }
0x12: {  	s12 =	sadd.s32 $0x5400, s12;
	s17 =	sadd.s32 s1, s15;
	[dreg:$0xb] =	wrdreg s10  }
0x13: {  	s15 =	sadd.s32 s4, s15;
	s1 =	sadd.s32 s1, s12;
	[dreg:$0xc] =	wrdreg s17  }
0x14: {  	s4 =	sadd.s32 s4, s12;
	s29 =	smax.u32 s9, $0x1;
	[dreg:$0xd] =	wrdreg s15  }
0x15: {  	s10 =	ssub.s32 $0x4C4, s19;
	s14 =	sadd.s32 s16, s20;
	[dreg:$0xe] =	wrdreg s1  }
0x16: {  	[dreg:$0xf] =	wrdreg s4;
	s1 =	sadd.s32 s24, s2;
	s26 =	smin.u32 s11, $0x2700  }
0x17: {  	s5 =	smin.u32 s11, $0x2680;
	s15 =	smin.u32 s11, $0x2580;
	s16 =	smin.u32 s11, $0x2500  }
0x18: {  	s23 =	sshrl.u32 s14, $0x3;
	s8 =	sadd.s32 $0x80, s5;
	s12 =	sadd.s32 s26, s3  }
0x19: {  	s14 =	smin.u32 s11, $0x2600;
	s1 =	sshrl.u32 s1, $0x3;
	s11 =	simm.s32 $0x8000  }
0x1a: {  	s22 =	sadd.s32 s6, s23;
	s23 =	sadd.s32 s7, s25;
	s7 =	sshll.u32 s26, $0x7  }
0x1b: {  	s9 =	sshll.u32 s8, $0x7;
	s24 =	sadd.s32 s8, s3;
	s4 =	sadd.s32 $0x100, s14  }
0x1c: {  	s6 =	sadd.s32 $0x180, s15;
	[dreg:$0x17] =	wrdreg s1;
	s1 =	simm.s32 $0x4  }
0x1d: {  	s8 =	simm.s32 $0x1;
	s14 =	simm.s32 $0x2;
	s15 =	simm.s32 $0x3  }
0x1e: {  	s30 =	sadd.s32 s7, s2;
	s5 =	sadd.s32 s9, s2;
	s17 =	sshll.u32 s4, $0x7  }
0x1f: {  	s18 =	sshll.u32 s6, $0x7;
	s6 =	sadd.s32 s6, s3;
	[dreg:$0x10] =	wrdreg s24  }
0x20: {  	s7 =	sadd.s32 $0x200, s16;
	s26 =	sadd.s32 s4, s3;
	[dreg:$0x14] =	wrdreg s6  }
0x21: {  	s16 =	simm.s32 @!p3 $0x0;
	s20 =	sadd.s32 s7, s3;
	[dreg:$0x12] =	wrdreg s26  }
.Ltmp0:
0x22: {  	s16 =	simm.s32 @p3 $0x1;
	[dreg:$0x16] =	wrdreg s20;
	(pc) =	sbr.rel .LBB2_1-.Ltmp0, $4  }
0x23: {  	s9 =	simm.s32 $0xC000;
	s25 =	sadd.s32 s17, s2;
	[smem:$0x7FD] =	sst s16  }
0x24: {  	s28 =	sadd.s32 s18, s2;
	s19 =	sshll.u32 s7, $0x7;
	[dreg:$0x11] =	wrdreg s25  }
0x25: {  	s6 =	simm.s32 $0x2000;
	s4 =	sadd.s32 s19, s2;
	[dreg:$0x13] =	wrdreg s28  }
0x26: {  	v0 =	vimm.f32 $0.0e+00;
	v1 =	vimm.f32 $1.000000000e+00;
	s7 =	simm.s32 $0x80;
	[dreg:$0x15] =	wrdreg s4;
	s4 =	simm.s32 $0x0  }
.LBB2_7:
0x27: {  	_ =	swait.ge [sflag:s15], $0x4000  }
0x28: {  	[sflag:s15] =	ssyncset.done $0x0  }
0x29: {  	[sflag:s15] =	ssyncadd.s32 $0xFFFFC000  }
0x2a: {  	_ =	swait.ge [sflag:s15], $0x80  }
0x2b: {  	[sflag:s15] =	ssyncset.done $0x0  }
0x2c: {  	s17 =	simm.s32 $0x0;
	s16 =	rddreg [dreg:$0xa];
	[sflag:s15] =	ssyncadd.s32 $0xFFFFFF80  }
0x2d: {  	[tilespmem:s17], [sflag:$0x4] =	stream.linear.gather [hbm4b:s16+s17], $0x800, $0x200038;
	[tilespmem:$0x1FEF8] =	vst v63  }
0x2e: {  	_ =	swait.ge [sflag:s1], $0x800  }
0x2f: {  	[sflag:s1] =	ssyncset.done $0x0  }
0x30: {  	s19 =	rddreg [dreg:$0xb];
	[sflag:s1] =	ssyncadd.s32 $0xFFFFF800  }
0x31: {  	[tilespmem:s6], [sflag:$0x4] =	stream.linear.gather [hbm4b:s19+s17], $0x800, $0x200038;
	[tilespmem:$0x1FEF8] =	vst v63  }
0x32: {  	_ =	swait.ge [sflag:s1], $0x800  }
0x33: {  	[sflag:s1] =	ssyncset.done $0x0  }
0x34: {  	[sflag:s1] =	ssyncadd.s32 $0xFFFFF800  }
0x35: {  	[tilespmem:s31], [sflag:$0x1] =	stream.indirect.gather [hbm4b:s0+s7], $0x80, s17, s7, $0x2000b8;
	[tilespmem:$0x1FEF8] =	vst v63  }
0x36: {  	_ =	swait.ge [sflag:s8], $0x4000  }
0x37: {  	[sflag:s8] =	ssyncset.done $0x0  }
0x38: {  	[sflag:s8] =	ssyncadd.s32 $0xFFFFC000  }
0x39: {  	[spmem:s2] =	stream.indirect.scatter.add.f32 [tilespmem:s31], [sflag:$0x2], $0x80, s6, s7, $0x2000b8;
	[tilespmem:$0x1FEF8] =	vst v63  }
0x3a: {  	_ = 	snop  }
0x3b: {  	[spmem:s3] =	stream.indirect.scatter.add.f32 [tilespmem:s9], [sflag:$0x2], $0x1, s6, s7, $0x2000b8;
	[tilespmem:$0x1FEF8] =	vst v63  }
0x3c: {  	_ = 	snop  }
0x3d: {  	[tilespmem:s11], [sflag:$0x1] =	stream.indirect.gather [hbm4b:s0+s7], $0x80, s7, s7, $0x2000b8;
	[tilespmem:$0x1FEF8] =	vst v63  }
0x3e: {  	_ =	swait.ge [sflag:s8], $0x4000  }
0x3f: {  	[sflag:s8] =	ssyncset.done $0x0  }
0x40: {  	s20 =	simm.s32 $0x2080;
	[sflag:s8] =	ssyncadd.s32 $0xFFFFC000  }
0x41: {  	[spmem:s2] =	stream.indirect.scatter.add.f32 [tilespmem:s11], [sflag:$0x3], $0x80, s20, s7, $0x2000b8;
	[tilespmem:$0x1FEF8] =	vst v63  }
0x42: {  	_ = 	snop  }
0x43: {  	[spmem:s3] =	stream.indirect.scatter.add.f32 [tilespmem:s9], [sflag:$0x3], $0x1, s20, s7, $0x2000b8;
	[tilespmem:$0x1FEF8] =	vst v63  }
0x44: {  	_ =	swait.ge [sflag:s14], $0x4000  }
0x45: {  	[sflag:s14] =	ssyncset.done $0x0  }
0x46: {  	[sflag:s14] =	ssyncadd.s32 $0xFFFFC000  }
0x47: {  	_ =	swait.ge [sflag:s14], $0x80  }
0x48: {  	[sflag:s14] =	ssyncset.done $0x0  }
0x49: {  	s17 =	simm.s32 $0x100;
	[sflag:s14] =	ssyncadd.s32 $0xFFFFFF80  }
0x4a: {  	[tilespmem:s31], [sflag:$0x1] =	stream.indirect.gather [hbm4b:s0+s7], $0x80, s17, s7, $0x2000b8;
	[tilespmem:$0x1FEF8] =	vst v63  }
0x4b: {  	_ =	swait.ge [sflag:s8], $0x4000  }
0x4c: {  	[sflag:s8] =	ssyncset.done $0x0  }
0x4d: {  	s18 =	simm.s32 $0x2100;
	[sflag:s8] =	ssyncadd.s32 $0xFFFFC000  }
0x4e: {  	[spmem:s2] =	stream.indirect.scatter.add.f32 [tilespmem:s31], [sflag:$0x2], $0x80, s18, s7, $0x2000b8;
	[tilespmem:$0x1FEF8] =	vst v63  }
0x4f: {  	_ = 	snop  }
0x50: {  	[spmem:s3] =	stream.indirect.scatter.add.f32 [tilespmem:s9], [sflag:$0x2], $0x1, s18, s7, $0x2000b8;
	[tilespmem:$0x1FEF8] =	vst v63  }
0x51: {  	_ =	swait.ge [sflag:s15], $0x4000  }
0x52: {  	[sflag:s15] =	ssyncset.done $0x0  }
0x53: {  	[sflag:s15] =	ssyncadd.s32 $0xFFFFC000  }
0x54: {  	_ =	swait.ge [sflag:s15], $0x80  }
0x55: {  	[sflag:s15] =	ssyncset.done $0x0  }
0x56: {  	s19 =	simm.s32 $0x180;
	[sflag:s15] =	ssyncadd.s32 $0xFFFFFF80  }
0x57: {  	[tilespmem:s11], [sflag:$0x1] =	stream.indirect.gather [hbm4b:s0+s7], $0x80, s19, s7, $0x2000b8;
	[tilespmem:$0x1FEF8] =	vst v63  }
0x58: {  	_ =	swait.ge [sflag:s8], $0x4000  }
0x59: {  	[sflag:s8] =	ssyncset.done $0x0  }
0x5a: {  	s20 =	simm.s32 $0x2180;
	[sflag:s8] =	ssyncadd.s32 $0xFFFFC000  }
0x5b: {  	[spmem:s2] =	stream.indirect.scatter.add.f32 [tilespmem:s11], [sflag:$0x3], $0x80, s20, s7, $0x2000b8;
	[tilespmem:$0x1FEF8] =	vst v63  }
0x5c: {  	_ = 	snop  }
0x5d: {  	[spmem:s3] =	stream.indirect.scatter.add.f32 [tilespmem:s9], [sflag:$0x3], $0x1, s20, s7, $0x2000b8;
	[tilespmem:$0x1FEF8] =	vst v63  }
0x5e: {  	_ =	swait.ge [sflag:s14], $0x4000  }
0x5f: {  	[sflag:s14] =	ssyncset.done $0x0  }
0x60: {  	[sflag:s14] =	ssyncadd.s32 $0xFFFFC000  }
0x61: {  	_ =	swait.ge [sflag:s14], $0x80  }
0x62: {  	[sflag:s14] =	ssyncset.done $0x0  }
0x63: {  	s17 =	simm.s32 $0x200;
	[sflag:s14] =	ssyncadd.s32 $0xFFFFFF80  }
0x64: {  	[tilespmem:s31], [sflag:$0x1] =	stream.indirect.gather [hbm4b:s0+s7], $0x80, s17, s7, $0x2000b8;
	[tilespmem:$0x1FEF8] =	vst v63  }
0x65: {  	_ =	swait.ge [sflag:s8], $0x4000  }
0x66: {  	[sflag:s8] =	ssyncset.done $0x0  }
0x67: {  	s18 =	simm.s32 $0x2200;
	[sflag:s8] =	ssyncadd.s32 $0xFFFFC000  }
0x68: {  	[spmem:s2] =	stream.indirect.scatter.add.f32 [tilespmem:s31], [sflag:$0x2], $0x80, s18, s7, $0x2000b8;
	[tilespmem:$0x1FEF8] =	vst v63  }
0x69: {  	_ = 	snop  }
0x6a: {  	[spmem:s3] =	stream.indirect.scatter.add.f32 [tilespmem:s9], [sflag:$0x2], $0x1, s18, s7, $0x2000b8;
	[tilespmem:$0x1FEF8] =	vst v63  }
0x6b: {  	_ =	swait.ge [sflag:s15], $0x4000  }
0x6c: {  	[sflag:s15] =	ssyncset.done $0x0  }
0x6d: {  	[sflag:s15] =	ssyncadd.s32 $0xFFFFC000  }
0x6e: {  	_ =	swait.ge [sflag:s15], $0x80  }
0x6f: {  	[sflag:s15] =	ssyncset.done $0x0  }
0x70: {  	s19 =	simm.s32 $0x280;
	[sflag:s15] =	ssyncadd.s32 $0xFFFFFF80  }
0x71: {  	[tilespmem:s11], [sflag:$0x1] =	stream.indirect.gather [hbm4b:s0+s7], $0x80, s19, s7, $0x2000b8;
	[tilespmem:$0x1FEF8] =	vst v63  }
0x72: {  	_ =	swait.ge [sflag:s8], $0x4000  }
0x73: {  	[sflag:s8] =	ssyncset.done $0x0  }
0x74: {  	s20 =	simm.s32 $0x2280;
	[sflag:s8] =	ssyncadd.s32 $0xFFFFC000  }
0x75: {  	[spmem:s2] =	stream.indirect.scatter.add.f32 [tilespmem:s11], [sflag:$0x3], $0x80, s20, s7, $0x2000b8;
	[tilespmem:$0x1FEF8] =	vst v63  }
0x76: {  	_ = 	snop  }
0x77: {  	[spmem:s3] =	stream.indirect.scatter.add.f32 [tilespmem:s9], [sflag:$0x3], $0x1, s20, s7, $0x2000b8;
	[tilespmem:$0x1FEF8] =	vst v63  }
0x78: {  	_ =	swait.ge [sflag:s14], $0x4000  }
0x79: {  	[sflag:s14] =	ssyncset.done $0x0  }
0x7a: {  	[sflag:s14] =	ssyncadd.s32 $0xFFFFC000  }
0x7b: {  	_ =	swait.ge [sflag:s14], $0x80  }
0x7c: {  	[sflag:s14] =	ssyncset.done $0x0  }
0x7d: {  	s17 =	simm.s32 $0x300;
	[sflag:s14] =	ssyncadd.s32 $0xFFFFFF80  }
0x7e: {  	[tilespmem:s31], [sflag:$0x1] =	stream.indirect.gather [hbm4b:s0+s7], $0x80, s17, s7, $0x2000b8;
	[tilespmem:$0x1FEF8] =	vst v63  }
0x7f: {  	_ =	swait.ge [sflag:s8], $0x4000  }
0x80: {  	[sflag:s8] =	ssyncset.done $0x0  }
0x81: {  	s18 =	simm.s32 $0x2300;
	[sflag:s8] =	ssyncadd.s32 $0xFFFFC000  }
0x82: {  	[spmem:s2] =	stream.indirect.scatter.add.f32 [tilespmem:s31], [sflag:$0x2], $0x80, s18, s7, $0x2000b8;
	[tilespmem:$0x1FEF8] =	vst v63  }
0x83: {  	_ = 	snop  }
0x84: {  	[spmem:s3] =	stream.indirect.scatter.add.f32 [tilespmem:s9], [sflag:$0x2], $0x1, s18, s7, $0x2000b8;
	[tilespmem:$0x1FEF8] =	vst v63  }
0x85: {  	_ =	swait.ge [sflag:s15], $0x4000  }
0x86: {  	[sflag:s15] =	ssyncset.done $0x0  }
0x87: {  	[sflag:s15] =	ssyncadd.s32 $0xFFFFC000  }
0x88: {  	_ =	swait.ge [sflag:s15], $0x80  }
0x89: {  	[sflag:s15] =	ssyncset.done $0x0  }
0x8a: {  	s19 =	simm.s32 $0x380;
	[sflag:s15] =	ssyncadd.s32 $0xFFFFFF80  }
0x8b: {  	[tilespmem:s11], [sflag:$0x1] =	stream.indirect.gather [hbm4b:s0+s7], $0x80, s19, s7, $0x2000b8;
	[tilespmem:$0x1FEF8] =	vst v63  }
0x8c: {  	_ =	swait.ge [sflag:s8], $0x4000  }
0x8d: {  	[sflag:s8] =	ssyncset.done $0x0  }
0x8e: {  	s20 =	simm.s32 $0x2380;
	[sflag:s8] =	ssyncadd.s32 $0xFFFFC000  }
0x8f: {  	[spmem:s2] =	stream.indirect.scatter.add.f32 [tilespmem:s11], [sflag:$0x3], $0x80, s20, s7, $0x2000b8;
	[tilespmem:$0x1FEF8] =	vst v63  }
0x90: {  	_ = 	snop  }
0x91: {  	[spmem:s3] =	stream.indirect.scatter.add.f32 [tilespmem:s9], [sflag:$0x3], $0x1, s20, s7, $0x2000b8;
	[tilespmem:$0x1FEF8] =	vst v63  }
0x92: {  	_ =	swait.ge [sflag:s14], $0x4000  }
0x93: {  	[sflag:s14] =	ssyncset.done $0x0  }
0x94: {  	[sflag:s14] =	ssyncadd.s32 $0xFFFFC000  }
0x95: {  	_ =	swait.ge [sflag:s14], $0x80  }
0x96: {  	[sflag:s14] =	ssyncset.done $0x0  }
0x97: {  	s17 =	simm.s32 $0x400;
	[sflag:s14] =	ssyncadd.s32 $0xFFFFFF80  }
0x98: {  	[tilespmem:s31], [sflag:$0x1] =	stream.indirect.gather [hbm4b:s0+s7], $0x80, s17, s7, $0x2000b8;
	[tilespmem:$0x1FEF8] =	vst v63  }
0x99: {  	_ =	swait.ge [sflag:s8], $0x4000  }
0x9a: {  	[sflag:s8] =	ssyncset.done $0x0  }
0x9b: {  	s18 =	simm.s32 $0x2400;
	[sflag:s8] =	ssyncadd.s32 $0xFFFFC000  }
0x9c: {  	[spmem:s2] =	stream.indirect.scatter.add.f32 [tilespmem:s31], [sflag:$0x2], $0x80, s18, s7, $0x2000b8;
	[tilespmem:$0x1FEF8] =	vst v63  }
0x9d: {  	_ = 	snop  }
0x9e: {  	[spmem:s3] =	stream.indirect.scatter.add.f32 [tilespmem:s9], [sflag:$0x2], $0x1, s18, s7, $0x2000b8;
	[tilespmem:$0x1FEF8] =	vst v63  }
0x9f: {  	_ =	swait.ge [sflag:s15], $0x4000  }
0xa0: {  	[sflag:s15] =	ssyncset.done $0x0  }
0xa1: {  	[sflag:s15] =	ssyncadd.s32 $0xFFFFC000  }
0xa2: {  	_ =	swait.ge [sflag:s15], $0x80  }
0xa3: {  	[sflag:s15] =	ssyncset.done $0x0  }
0xa4: {  	s19 =	simm.s32 $0x480;
	[sflag:s15] =	ssyncadd.s32 $0xFFFFFF80  }
0xa5: {  	[tilespmem:s11], [sflag:$0x1] =	stream.indirect.gather [hbm4b:s0+s7], $0x80, s19, s7, $0x2000b8;
	[tilespmem:$0x1FEF8] =	vst v63  }
0xa6: {  	_ =	swait.ge [sflag:s8], $0x4000  }
0xa7: {  	[sflag:s8] =	ssyncset.done $0x0  }
0xa8: {  	s20 =	simm.s32 $0x2480;
	[sflag:s8] =	ssyncadd.s32 $0xFFFFC000  }
0xa9: {  	[spmem:s2] =	stream.indirect.scatter.add.f32 [tilespmem:s11], [sflag:$0x3], $0x80, s20, s7, $0x2000b8;
	[tilespmem:$0x1FEF8] =	vst v63  }
0xaa: {  	_ = 	snop  }
0xab: {  	[spmem:s3] =	stream.indirect.scatter.add.f32 [tilespmem:s9], [sflag:$0x3], $0x1, s20, s7, $0x2000b8;
	[tilespmem:$0x1FEF8] =	vst v63  }
0xac: {  	_ =	swait.ge [sflag:s14], $0x4000  }
0xad: {  	[sflag:s14] =	ssyncset.done $0x0  }
0xae: {  	[sflag:s14] =	ssyncadd.s32 $0xFFFFC000  }
0xaf: {  	_ =	swait.ge [sflag:s14], $0x80  }
0xb0: {  	[sflag:s14] =	ssyncset.done $0x0  }
0xb1: {  	s17 =	simm.s32 $0x500;
	[sflag:s14] =	ssyncadd.s32 $0xFFFFFF80  }
0xb2: {  	[tilespmem:s31], [sflag:$0x1] =	stream.indirect.gather [hbm4b:s0+s7], $0x80, s17, s7, $0x2000b8;
	[tilespmem:$0x1FEF8] =	vst v63  }
0xb3: {  	_ =	swait.ge [sflag:s8], $0x4000  }
0xb4: {  	[sflag:s8] =	ssyncset.done $0x0  }
0xb5: {  	s18 =	simm.s32 $0x2500;
	[sflag:s8] =	ssyncadd.s32 $0xFFFFC000  }
0xb6: {  	[spmem:s2] =	stream.indirect.scatter.add.f32 [tilespmem:s31], [sflag:$0x2], $0x80, s18, s7, $0x2000b8;
	[tilespmem:$0x1FEF8] =	vst v63  }
0xb7: {  	_ = 	snop  }
0xb8: {  	[spmem:s3] =	stream.indirect.scatter.add.f32 [tilespmem:s9], [sflag:$0x2], $0x1, s18, s7, $0x2000b8;
	[tilespmem:$0x1FEF8] =	vst v63  }
0xb9: {  	_ =	swait.ge [sflag:s15], $0x4000  }
0xba: {  	[sflag:s15] =	ssyncset.done $0x0  }
0xbb: {  	[sflag:s15] =	ssyncadd.s32 $0xFFFFC000  }
0xbc: {  	_ =	swait.ge [sflag:s15], $0x80  }
0xbd: {  	[sflag:s15] =	ssyncset.done $0x0  }
0xbe: {  	s19 =	simm.s32 $0x580;
	[sflag:s15] =	ssyncadd.s32 $0xFFFFFF80  }
0xbf: {  	[tilespmem:s11], [sflag:$0x1] =	stream.indirect.gather [hbm4b:s0+s7], $0x80, s19, s7, $0x2000b8;
	[tilespmem:$0x1FEF8] =	vst v63  }
0xc0: {  	_ =	swait.ge [sflag:s8], $0x4000  }
0xc1: {  	[sflag:s8] =	ssyncset.done $0x0  }
0xc2: {  	s20 =	simm.s32 $0x2580;
	[sflag:s8] =	ssyncadd.s32 $0xFFFFC000  }
0xc3: {  	[spmem:s2] =	stream.indirect.scatter.add.f32 [tilespmem:s11], [sflag:$0x3], $0x80, s20, s7, $0x2000b8;
	[tilespmem:$0x1FEF8] =	vst v63  }
0xc4: {  	_ = 	snop  }
0xc5: {  	[spmem:s3] =	stream.indirect.scatter.add.f32 [tilespmem:s9], [sflag:$0x3], $0x1, s20, s7, $0x2000b8;
	[tilespmem:$0x1FEF8] =	vst v63  }
0xc6: {  	_ =	swait.ge [sflag:s14], $0x4000  }
0xc7: {  	[sflag:s14] =	ssyncset.done $0x0  }
0xc8: {  	[sflag:s14] =	ssyncadd.s32 $0xFFFFC000  }
0xc9: {  	_ =	swait.ge [sflag:s14], $0x80  }
0xca: {  	[sflag:s14] =	ssyncset.done $0x0  }
0xcb: {  	s17 =	simm.s32 $0x600;
	[sflag:s14] =	ssyncadd.s32 $0xFFFFFF80  }
0xcc: {  	[tilespmem:s31], [sflag:$0x1] =	stream.indirect.gather [hbm4b:s0+s7], $0x80, s17, s7, $0x2000b8;
	[tilespmem:$0x1FEF8] =	vst v63  }
0xcd: {  	_ =	swait.ge [sflag:s8], $0x4000  }
0xce: {  	[sflag:s8] =	ssyncset.done $0x0  }
0xcf: {  	s18 =	simm.s32 $0x2600;
	[sflag:s8] =	ssyncadd.s32 $0xFFFFC000  }
0xd0: {  	[spmem:s2] =	stream.indirect.scatter.add.f32 [tilespmem:s31], [sflag:$0x2], $0x80, s18, s7, $0x2000b8;
	[tilespmem:$0x1FEF8] =	vst v63  }
0xd1: {  	_ = 	snop  }
0xd2: {  	[spmem:s3] =	stream.indirect.scatter.add.f32 [tilespmem:s9], [sflag:$0x2], $0x1, s18, s7, $0x2000b8;
	[tilespmem:$0x1FEF8] =	vst v63  }
0xd3: {  	_ =	swait.ge [sflag:s15], $0x4000  }
0xd4: {  	[sflag:s15] =	ssyncset.done $0x0  }
0xd5: {  	[sflag:s15] =	ssyncadd.s32 $0xFFFFC000  }
0xd6: {  	_ =	swait.ge [sflag:s15], $0x80  }
0xd7: {  	[sflag:s15] =	ssyncset.done $0x0  }
0xd8: {  	s19 =	simm.s32 $0x680;
	[sflag:s15] =	ssyncadd.s32 $0xFFFFFF80  }
0xd9: {  	[tilespmem:s11], [sflag:$0x1] =	stream.indirect.gather [hbm4b:s0+s7], $0x80, s19, s7, $0x2000b8;
	[tilespmem:$0x1FEF8] =	vst v63  }
0xda: {  	_ =	swait.ge [sflag:s8], $0x4000  }
0xdb: {  	[sflag:s8] =	ssyncset.done $0x0  }
0xdc: {  	s20 =	simm.s32 $0x2680;
	[sflag:s8] =	ssyncadd.s32 $0xFFFFC000  }
0xdd: {  	[spmem:s2] =	stream.indirect.scatter.add.f32 [tilespmem:s11], [sflag:$0x3], $0x80, s20, s7, $0x2000b8;
	[tilespmem:$0x1FEF8] =	vst v63  }
0xde: {  	_ = 	snop  }
0xdf: {  	[spmem:s3] =	stream.indirect.scatter.add.f32 [tilespmem:s9], [sflag:$0x3], $0x1, s20, s7, $0x2000b8;
	[tilespmem:$0x1FEF8] =	vst v63  }
0xe0: {  	_ =	swait.ge [sflag:s14], $0x4000  }
0xe1: {  	[sflag:s14] =	ssyncset.done $0x0  }
0xe2: {  	[sflag:s14] =	ssyncadd.s32 $0xFFFFC000  }
0xe3: {  	_ =	swait.ge [sflag:s14], $0x80  }
0xe4: {  	[sflag:s14] =	ssyncset.done $0x0  }
0xe5: {  	s17 =	simm.s32 $0x700;
	[sflag:s14] =	ssyncadd.s32 $0xFFFFFF80  }
0xe6: {  	[tilespmem:s31], [sflag:$0x1] =	stream.indirect.gather [hbm4b:s0+s7], $0x80, s17, s7, $0x2000b8;
	[tilespmem:$0x1FEF8] =	vst v63  }
0xe7: {  	_ =	swait.ge [sflag:s8], $0x4000  }
0xe8: {  	[sflag:s8] =	ssyncset.done $0x0  }
0xe9: {  	s18 =	simm.s32 $0x2700;
	[sflag:s8] =	ssyncadd.s32 $0xFFFFC000  }
0xea: {  	[spmem:s2] =	stream.indirect.scatter.add.f32 [tilespmem:s31], [sflag:$0x2], $0x80, s18, s7, $0x2000b8;
	[tilespmem:$0x1FEF8] =	vst v63  }
0xeb: {  	_ = 	snop  }
0xec: {  	[spmem:s3] =	stream.indirect.scatter.add.f32 [tilespmem:s9], [sflag:$0x2], $0x1, s18, s7, $0x2000b8;
	[tilespmem:$0x1FEF8] =	vst v63  }
0xed: {  	_ =	swait.ge [sflag:s15], $0x4000  }
0xee: {  	[sflag:s15] =	ssyncset.done $0x0  }
0xef: {  	[sflag:s15] =	ssyncadd.s32 $0xFFFFC000  }
0xf0: {  	_ =	swait.ge [sflag:s15], $0x80  }
0xf1: {  	[sflag:s15] =	ssyncset.done $0x0  }
0xf2: {  	s19 =	simm.s32 $0x780;
	[sflag:s15] =	ssyncadd.s32 $0xFFFFFF80  }
0xf3: {  	[tilespmem:s11], [sflag:$0x1] =	stream.indirect.gather [hbm4b:s0+s7], $0x80, s19, s7, $0x2000b8;
	[tilespmem:$0x1FEF8] =	vst v63  }
0xf4: {  	_ =	swait.ge [sflag:s8], $0x4000  }
0xf5: {  	[sflag:s8] =	ssyncset.done $0x0  }
0xf6: {  	s20 =	simm.s32 $0x2780;
	[sflag:s8] =	ssyncadd.s32 $0xFFFFC000  }
0xf7: {  	[spmem:s2] =	stream.indirect.scatter.add.f32 [tilespmem:s11], [sflag:$0x3], $0x80, s20, s7, $0x2000b8;
	[tilespmem:$0x1FEF8] =	vst v63  }
0xf8: {  	_ = 	snop  }
0xf9: {  	[spmem:s3] =	stream.indirect.scatter.add.f32 [tilespmem:s9], [sflag:$0x3], $0x1, s20, s7, $0x2000b8;
	[tilespmem:$0x1FEF8] =	vst v63  }
0xfa: {  	_ =	swait.ge [sflag:s14], $0x4000  }
0xfb: {  	[sflag:s14] =	ssyncset.done $0x0  }
0xfc: {  	[sflag:s14] =	ssyncadd.s32 $0xFFFFC000  }
0xfd: {  	_ =	swait.ge [sflag:s14], $0x80  }
0xfe: {  	[sflag:s14] =	ssyncset.done $0x0  }
0xff: {  	[sflag:s14] =	ssyncadd.s32 $0xFFFFFF80  }
.LBB2_14:
0x100: {  	_ =	swait.ge [sflag:s15], $0x4000  }
0x101: {  	[sflag:s15] =	ssyncset.done $0x0  }
0x102: {  	[sflag:s15] =	ssyncadd.s32 $0xFFFFC000  }
0x103: {  	_ =	swait.ge [sflag:s15], $0x80  }
0x104: {  	[sflag:s15] =	ssyncset.done $0x0  }
0x105: {  	[sflag:s15] =	ssyncadd.s32 $0xFFFFFF80  }
.LBB2_15:
0x106: {  	_ =	strace $0x90000049  }
0x107: {  	[bflag:$0x0] =	sbarrier.arrive $0xFFFF  }
0x108: {  	s16 =	sshll.u32 s21, $0x6;
	_ =	strace $0x8000004A  }
0x109: {  	s16 =	sor.u32 $0x1C04, s16;
	s17 =	rddreg [dreg:$0x17]  }
0x10a: {  	[hbm:s22], [sflag:s16] =	dma.local [spmem:s17], $0x2780  }
0x10b: {  	s18 =	simm.s32 @!p1 $0x1;
	s19 =	simm.s32 @!p1 $0x20;
	_ =	swait.ge [sflag:s1], $0x2780  }
0x10c: {  	s20 =	simm.s32 @!p1 $0x10;
	s4 =	sadd.s32 $0x1, s4;
	[sflag:s1] =	ssyncset.done $0x0  }
0x10d: {  	p0 =	sne.s32 s4, s29;
	s17 =	sshrl.u32 @!p1 s3, $0x3;
	[sflag:s1] =	ssyncadd.s32 $0xFFFFD880  }
0x10e: {  	[hbm:s23@s19], [sflag:s16] =	dma.strided @!p1 [spmem:s17@s20], $0x4F0, s18, $0x10   }
.Ltmp1:
0x10f: {  	s16 =	simm.s32 @!p1 $0x4;
	(pc) =	sbr.rel @!p0 .LBB2_16-.Ltmp1, $4  }
0x110: {  	_ =	swait.ge @!p1 [sflag:s16], $0x4F0  }
0x111: {  	[sflag:s16] =	ssyncset.done @!p1 $0x0  }
0x112: {  	[sflag:s16] =	ssyncadd.s32 @!p1 $0xFFFFFB10  }
0x113: {  	_ =	strace $0x9000004A  }
.LBB2_1:
0x114: {  	_ =	strace $0x80000048;
	s16 =	simm.s32 $0x0;
	s17 =	simm.s32 $0x200  }
.LBB2_2:
0x115: {  	p0 =	sne.s32 s17, $0xFE00;
	[tilespmem:s16+$0x4070] =	vst v0  }
0x116: {  	[tilespmem:s16+$0x4000] =	vst v0  }
0x117: {  	[tilespmem:s16+$0x4010] =	vst v0  }
.Ltmp2:
0x118: {  	[tilespmem:s16+$0x4020] =	vst v0;
	(pc) =	sbr.rel @p0 .LBB2_2-.Ltmp2, $4  }
0x119: {  	[tilespmem:s16+$0x4030] =	vst v0  }
0x11a: {  	[tilespmem:s16+$0x4040] =	vst v0  }
0x11b: {  	[tilespmem:s16+$0x4050] =	vst v0  }
0x11c: {  	[tilespmem:s16+$0x4060] =	vst v0;
	s16 =	sshra.s32 s17, $0x2;
	s17 =	sadd.s32 $0x200, s17  }
0x11d: {  	[tilespmem:s16+$0x4070] =	vst v0  }
0x11e: {  	[tilespmem:s16+$0x4000] =	vst v0  }
0x11f: {  	[tilespmem:s16+$0x4010] =	vst v0  }
0x120: {  	[tilespmem:s16+$0x4020] =	vst v0  }
0x121: {  	[tilespmem:s16+$0x4030] =	vst v0  }
0x122: {  	[tilespmem:s16+$0x4040] =	vst v0  }
0x123: {  	[tilespmem:s16+$0x4050] =	vst v0  }
0x124: {  	[tilespmem:s16+$0x4060] =	vst v0  }
0x125: {  	[tilespmem:$0xC000] =	vst v1  }
0x126: {  	[tilespmem:$0xC010] =	vst v1  }
0x127: {  	[tilespmem:$0xC020] =	vst v1  }
0x128: {  	[tilespmem:$0xC030] =	vst v1  }
0x129: {  	[tilespmem:$0xC040] =	vst v1  }
0x12a: {  	[tilespmem:$0xC050] =	vst v1  }
0x12b: {  	[tilespmem:$0xC060] =	vst v1  }
0x12c: {  	[tilespmem:$0xC070] =	vst v1  }
0x12d: {  	[spmem:s30] =	stream.linear.scatter [tilespmem:s31], [sflag:$0x4], $0x4000, $0x200038;
	[tilespmem:$0x1FEF8] =	vst v63  }
0x12e: {  	_ =	swait.ge [sflag:s1], $0x4000  }
0x12f: {  	[sflag:s1] =	ssyncset.done $0x0  }
0x130: {  	[sflag:s1] =	ssyncadd.s32 $0xFFFFC000  }
0x131: {  	[spmem:s12] =	stream.linear.scatter [tilespmem:s31], [sflag:$0x4], $0x80, $0x200038;
	[tilespmem:$0x1FEF8] =	vst v63  }
0x132: {  	_ =	swait.ge [sflag:s1], $0x80  }
0x133: {  	[sflag:s1] =	ssyncset.done $0x0  }
0x134: {  	[sflag:s1] =	ssyncadd.s32 $0xFFFFFF80  }
0x135: {  	[spmem:s5] =	stream.linear.scatter [tilespmem:s31], [sflag:$0x4], $0x4000, $0x200038;
	[tilespmem:$0x1FEF8] =	vst v63  }
0x136: {  	_ =	swait.ge [sflag:s1], $0x4000  }
0x137: {  	[sflag:s1] =	ssyncset.done $0x0  }
0x138: {  	[sflag:s1] =	ssyncadd.s32 $0xFFFFC000  }
0x139: {  	[spmem:s24] =	stream.linear.scatter [tilespmem:s31], [sflag:$0x4], $0x80, $0x200038;
	[tilespmem:$0x1FEF8] =	vst v63  }
0x13a: {  	_ =	swait.ge [sflag:s1], $0x80  }
0x13b: {  	[sflag:s1] =	ssyncset.done $0x0  }
0x13c: {  	[sflag:s1] =	ssyncadd.s32 $0xFFFFFF80  }
0x13d: {  	[spmem:s25] =	stream.linear.scatter [tilespmem:s31], [sflag:$0x4], $0x4000, $0x200038;
	[tilespmem:$0x1FEF8] =	vst v63  }
0x13e: {  	_ =	swait.ge [sflag:s1], $0x4000  }
0x13f: {  	[sflag:s1] =	ssyncset.done $0x0  }
0x140: {  	[sflag:s1] =	ssyncadd.s32 $0xFFFFC000  }
0x141: {  	[spmem:s26] =	stream.linear.scatter [tilespmem:s31], [sflag:$0x4], $0x80, $0x200038;
	[tilespmem:$0x1FEF8] =	vst v63  }
0x142: {  	_ =	swait.ge [sflag:s1], $0x80  }
0x143: {  	[sflag:s1] =	ssyncset.done $0x0  }
0x144: {  	[sflag:s1] =	ssyncadd.s32 $0xFFFFFF80  }
0x145: {  	[spmem:s28] =	stream.linear.scatter [tilespmem:s31], [sflag:$0x4], $0x4000, $0x200038;
	[tilespmem:$0x1FEF8] =	vst v63  }
0x146: {  	_ =	swait.ge [sflag:s1], $0x4000  }
0x147: {  	[sflag:s1] =	ssyncset.done $0x0  }
0x148: {  	s18 =	rddreg [dreg:$0x14];
	[sflag:s1] =	ssyncadd.s32 $0xFFFFC000  }
0x149: {  	[spmem:s18] =	stream.linear.scatter [tilespmem:s31], [sflag:$0x4], $0x80, $0x200038;
	[tilespmem:$0x1FEF8] =	vst v63  }
0x14a: {  	_ =	swait.ge [sflag:s1], $0x80  }
0x14b: {  	[sflag:s1] =	ssyncset.done $0x0  }
0x14c: {  	s19 =	rddreg [dreg:$0x15];
	[sflag:s1] =	ssyncadd.s32 $0xFFFFFF80  }
0x14d: {  	[spmem:s19] =	stream.linear.scatter [tilespmem:s31], [sflag:$0x4], $0x4000, $0x200038;
	[tilespmem:$0x1FEF8] =	vst v63  }
0x14e: {  	_ =	swait.ge [sflag:s1], $0x4000  }
0x14f: {  	[sflag:s1] =	ssyncset.done $0x0  }
0x150: {  	s20 =	rddreg [dreg:$0x16];
	[sflag:s1] =	ssyncadd.s32 $0xFFFFC000  }
0x151: {  	[spmem:s20] =	stream.linear.scatter [tilespmem:s31], [sflag:$0x4], $0x80, $0x200038;
	[tilespmem:$0x1FEF8] =	vst v63  }
0x152: {  	_ =	swait.ge [sflag:s1], $0x80  }
.Ltmp3:
0x153: {  	[sflag:s1] =	ssyncset.done $0x0;
	(pc) =	sbr.rel @!p3 .LBB2_4-.Ltmp3, $4  }
0x154: {  	[sflag:s1] =	ssyncadd.s32 $0xFFFFFF80  }
0x155: {  	[bflag:$0x0] =	sbarrier.arrive $0xFFFF  }
0x156: {  	_ =	strace $0x90000048  }
0x157: {  	_ =	strace $0x80000049  }
0x158: {  	s28 =	smov.u32 s23  }
0x159: {  	s16 =	simm.s32 $0x0;
	s17 =	rddreg [dreg:$0xc];
	s23 =	simm.s32 $0x4  }
0x15a: {  	[tilespmem:s16], [sflag:$0x4] =	stream.linear.gather [hbm4b:s17+s16], $0x2000, $0x200038;
	[tilespmem:$0x1FEF8] =	vst v63  }
0x15b: {  	_ =	swait.ge [sflag:s23], $0x2000  }
0x15c: {  	[sflag:s23] =	ssyncset.done $0x0  }
0x15d: {  	s18 =	rddreg [dreg:$0xd];
	[sflag:s23] =	ssyncadd.s32 $0xFFFFE000  }
0x15e: {  	[tilespmem:s6], [sflag:$0x4] =	stream.linear.gather [hbm4b:s18+s16], $0x2000, $0x200038;
	[tilespmem:$0x1FEF8] =	vst v63  }
0x15f: {  	_ =	swait.ge [sflag:s23], $0x2000  }
0x160: {  	[sflag:s23] =	ssyncset.done $0x0  }
0x161: {  	[sflag:s23] =	ssyncadd.s32 $0xFFFFE000  }
0x162: {  	[tilespmem:s31], [sflag:$0x1] =	stream.indirect.gather [hbm4b:s0+s7], $0x80, s16, s7, $0x2000b8;
	[tilespmem:$0x1FEF8] =	vst v63  }
0x163: {  	_ =	swait.ge [sflag:s8], $0x4000  }
0x164: {  	[sflag:s8] =	ssyncset.done $0x0  }
0x165: {  	[sflag:s8] =	ssyncadd.s32 $0xFFFFC000  }
0x166: {  	[spmem:s2] =	stream.indirect.scatter.add.f32 [tilespmem:s31], [sflag:$0x2], $0x80, s6, s7, $0x2000b8;
	[tilespmem:$0x1FEF8] =	vst v63  }
0x167: {  	_ = 	snop  }
0x168: {  	[spmem:s3] =	stream.indirect.scatter.add.f32 [tilespmem:s9], [sflag:$0x2], $0x1, s6, s7, $0x2000b8;
	[tilespmem:$0x1FEF8] =	vst v63  }
0x169: {  	_ = 	snop  }
0x16a: {  	[tilespmem:s11], [sflag:$0x1] =	stream.indirect.gather [hbm4b:s0+s7], $0x80, s7, s7, $0x2000b8;
	[tilespmem:$0x1FEF8] =	vst v63  }
0x16b: {  	_ =	swait.ge [sflag:s8], $0x4000  }
0x16c: {  	[sflag:s8] =	ssyncset.done $0x0  }
0x16d: {  	s24 =	simm.s32 $0x2080;
	[sflag:s8] =	ssyncadd.s32 $0xFFFFC000  }
0x16e: {  	[spmem:s2] =	stream.indirect.scatter.add.f32 [tilespmem:s11], [sflag:$0x3], $0x80, s24, s7, $0x2000b8;
	[tilespmem:$0x1FEF8] =	vst v63  }
0x16f: {  	_ = 	snop  }
0x170: {  	[spmem:s3] =	stream.indirect.scatter.add.f32 [tilespmem:s9], [sflag:$0x3], $0x1, s24, s7, $0x2000b8;
	[tilespmem:$0x1FEF8] =	vst v63  }
0x171: {  	_ =	swait.ge [sflag:s14], $0x4000  }
0x172: {  	[sflag:s14] =	ssyncset.done $0x0  }
0x173: {  	[sflag:s14] =	ssyncadd.s32 $0xFFFFC000  }
0x174: {  	_ =	swait.ge [sflag:s14], $0x80  }
0x175: {  	p0 =	sle.u32 s10, $0x2;
	[sflag:s14] =	ssyncset.done $0x0  }
0x176: {  	s25 =	simm.s32 $0x100;
	s16 =	simm.s32 @!p0 $0x1;
	[sflag:s14] =	ssyncadd.s32 $0xFFFFFF80  }
0x177: {  	[tilespmem:s31], [sflag:$0x1] =	stream.indirect.gather [hbm4b:s0+s7], $0x80, s25, s7, $0x2000b8;
	[tilespmem:$0x1FEF8] =	vst v63  }
0x178: {  	_ =	swait.ge @!p0 [sflag:s16], $0x4000  }
0x179: {  	s17 =	simm.s32 @!p0 $0x4000;
	s19 =	simm.s32 @!p0 $0x80;
	[sflag:s16] =	ssyncset.done @!p0 $0x0  }
0x17a: {  	p3 =	por p0, p0;
	s18 =	simm.s32 @!p0 $0x2100;
	[sflag:s16] =	ssyncadd.s32 @!p0 $0xFFFFC000  }
0x17b: {  	[spmem:s2] =	stream.indirect.scatter.add.f32 @!p3 [tilespmem:s17], [sflag:$0x2], $0x80, s18, s19, $0x2000b8;
	[tilespmem:$0x1FEF8] =	vst v63  }
0x17c: {  	p4 =	slt.u32 s10, $0x2;
	s16 =	simm.s32 @!p3 $0xC000  }
0x17d: {  	[spmem:s3] =	stream.indirect.scatter.add.f32 @!p3 [tilespmem:s16], [sflag:$0x2], $0x1, s18, s19, $0x2000b8;
	[tilespmem:$0x1FEF8] =	vst v63  }
0x17e: {  	s16 =	simm.s32 @!p4 $0x3  }
0x17f: {  	_ =	swait.ge @!p4 [sflag:s16], $0x4000  }
0x180: {  	[sflag:s16] =	ssyncset.done @!p4 $0x0  }
0x181: {  	[sflag:s16] =	ssyncadd.s32 @!p4 $0xFFFFC000  }
0x182: {  	p0 =	sle.u32 s10, $0x3;
	_ =	swait.ge @!p4 [sflag:s16], $0x80  }
0x183: {  	s17 =	simm.s32 @!p0 $0x80;
	s20 =	simm.s32 @!p0 $0x1;
	[sflag:s16] =	ssyncset.done @!p4 $0x0  }
0x184: {  	s18 =	simm.s32 @!p0 $0x180;
	s19 =	simm.s32 @!p0 $0x8000;
	[sflag:s16] =	ssyncadd.s32 @!p4 $0xFFFFFF80  }
0x185: {  	[tilespmem:s19], [sflag:$0x1] =	stream.indirect.gather @!p0 [hbm4b:s0+s17], $0x80, s18, s17, $0x2000b8;
	[tilespmem:$0x1FEF8] =	vst v63  }
0x186: {  	_ =	swait.ge @!p0 [sflag:s20], $0x4000  }
0x187: {  	s26 =	smov.u32 s22;
	p6 =	sle.u32 s10, $0x4;
	[sflag:s20] =	ssyncset.done @!p0 $0x0  }
0x188: {  	p5 =	sle.u32 s10, $0x6;
	s18 =	simm.s32 @!p0 $0x2180;
	[sflag:s20] =	ssyncadd.s32 @!p0 $0xFFFFC000  }
0x189: {  	[spmem:s2] =	stream.indirect.scatter.add.f32 @!p0 [tilespmem:s19], [sflag:$0x3], $0x80, s18, s17, $0x2000b8;
	[tilespmem:$0x1FEF8] =	vst v63  }
0x18a: {  	s21 =	simm.s32 @!p3 $0x2;
	p4 =	por p6, p6;
	s19 =	simm.s32 @!p0 $0xC000  }
0x18b: {  	[spmem:s3] =	stream.indirect.scatter.add.f32 @!p0 [tilespmem:s19], [sflag:$0x3], $0x1, s18, s17, $0x2000b8;
	[tilespmem:$0x1FEF8] =	vst v63  }
0x18c: {  	s16 =	simm.s32 $0x400;
	s22 =	simm.s32 @!p4 $0x4000;
	_ =	swait.ge @!p3 [sflag:s21], $0x4000  }
0x18d: {  	s23 =	simm.s32 @!p4 $0x0;
	s20 =	simm.s32 $0x4;
	[sflag:s21] =	ssyncset.done @!p3 $0x0  }
0x18e: {  	s18 =	simm.s32 $0x800;
	s17 =	simm.s32 $0x6;
	[sflag:s21] =	ssyncadd.s32 @!p3 $0xFFFFC000  }
.LBB2_9:
0x18f: {  	p0 =	sge.u32 s20, s10;
	_ =	swait.ge @!p3 [sflag:s21], $0x80  }
0x190: {  	s19 =	smov.u32 s16;
	s16 =	smov.u32 s18;
	s18 =	sadd.s32 $0x400, s18  }
0x191: {  	s24 =	simm.s32 @!p0 $0x1;
	s25 =	sshra.s32 @!p0 s19, $0x2;
	[sflag:s21] =	ssyncset.done @!p3 $0x0  }
0x192: {  	[sflag:s21] =	ssyncadd.s32 @!p3 $0xFFFFFF80;
	s21 =	sadd.s32 @!p4 $0x200, s23;
	s23 =	simm.s32 @!p4 $0x80  }
0x193: {  	[tilespmem:s22], [sflag:$0x1] =	stream.indirect.gather @!p4 [hbm4b:s0+s23], $0x80, s21, s23, $0x2000b8;
	[tilespmem:$0x1FEF8] =	vst v63  }
0x194: {  	p6 =	sne.s32 s18, $0x7800;
	s21 =	simm.s32 @!p0 $0x4000;
	_ =	swait.ge @!p0 [sflag:s24], $0x4000  }
0x195: {  	s22 =	sadd.s32 @!p0 $0x2100, s25;
	s23 =	simm.s32 @!p0 $0x80;
	[sflag:s24] =	ssyncset.done @!p0 $0x0  }
0x196: {  	p3 =	por p0, p0;
	p4 =	por p5, p5;
	[sflag:s24] =	ssyncadd.s32 @!p0 $0xFFFFC000  }
0x197: {  	[spmem:s2] =	stream.indirect.scatter.add.f32 @!p3 [tilespmem:s21], [sflag:$0x2], $0x80, s22, s23, $0x2000b8;
	[tilespmem:$0x1FEF8] =	vst v63  }
0x198: {  	p0 =	sgt.u32 s20, s10;
	s21 =	simm.s32 @!p3 $0xC000  }
0x199: {  	[spmem:s3] =	stream.indirect.scatter.add.f32 @!p3 [tilespmem:s21], [sflag:$0x2], $0x1, s22, s23, $0x2000b8;
	[tilespmem:$0x1FEF8] =	vst v63  }
0x19a: {  	s20 =	simm.s32 @!p0 $0x3  }
0x19b: {  	_ =	swait.ge @!p0 [sflag:s20], $0x4000  }
0x19c: {  	s21 =	sadd.s32 $0xFFFFFFFF, s17;
	[sflag:s20] =	ssyncset.done @!p0 $0x0  }
0x19d: {  	p5 =	sge.u32 s21, s10;
	[sflag:s20] =	ssyncadd.s32 @!p0 $0xFFFFC000  }
0x19e: {  	s21 =	sshra.s32 @!p5 s19, $0x2;
	s22 =	simm.s32 @!p5 $0x80;
	_ =	swait.ge @!p0 [sflag:s20], $0x80  }
0x19f: {  	s24 =	simm.s32 @!p5 $0x8000;
	s23 =	sadd.s32 @!p5 $0x180, s21;
	[sflag:s20] =	ssyncset.done @!p0 $0x0  }
0x1a0: {  	[sflag:s20] =	ssyncadd.s32 @!p0 $0xFFFFFF80;
	s20 =	simm.s32 @!p5 $0x1  }
0x1a1: {  	[tilespmem:s24], [sflag:$0x1] =	stream.indirect.gather @!p5 [hbm4b:s0+s22], $0x80, s23, s22, $0x2000b8;
	[tilespmem:$0x1FEF8] =	vst v63  }
0x1a2: {  	_ =	swait.ge @!p5 [sflag:s20], $0x4000  }
0x1a3: {  	s23 =	sadd.s32 @!p5 $0x2180, s21;
	[sflag:s20] =	ssyncset.done @!p5 $0x0  }
0x1a4: {  	[sflag:s20] =	ssyncadd.s32 @!p5 $0xFFFFC000;
	s20 =	simm.s32 @!p5 $0xC000  }
0x1a5: {  	[spmem:s2] =	stream.indirect.scatter.add.f32 @!p5 [tilespmem:s24], [sflag:$0x3], $0x80, s23, s22, $0x2000b8;
	[tilespmem:$0x1FEF8] =	vst v63  }
.Ltmp4:
0x1a6: {  	s21 =	simm.s32 @!p3 $0x2;
	(pc) =	sbr.rel @p6 .LBB2_9-.Ltmp4, $4  }
0x1a7: {  	[spmem:s3] =	stream.indirect.scatter.add.f32 @!p5 [tilespmem:s20], [sflag:$0x3], $0x1, s23, s22, $0x2000b8;
	[tilespmem:$0x1FEF8] =	vst v63  }
0x1a8: {  	s22 =	simm.s32 @!p4 $0x4000;
	_ =	swait.ge @!p3 [sflag:s21], $0x4000  }
0x1a9: {  	s17 =	sadd.s32 $0x2, s17;
	s23 =	sshra.s32 @!p4 s19, $0x2;
	[sflag:s21] =	ssyncset.done @!p3 $0x0  }
0x1aa: {  	s20 =	sadd.s32 $0xFFFFFFFE, s17;
	p5 =	sge.u32 s17, s10;
	[sflag:s21] =	ssyncadd.s32 @!p3 $0xFFFFC000  }
0x1ab: {  	_ =	swait.ge @!p3 [sflag:s21], $0x80  }
0x1ac: {  	p0 =	sge.u32 s20, s10;
	s19 =	sadd.s32 @!p4 $0x200, s23;
	[sflag:s21] =	ssyncset.done @!p3 $0x0  }
0x1ad: {  	s18 =	simm.s32 @!p0 $0x1;
	[sflag:s21] =	ssyncadd.s32 @!p3 $0xFFFFFF80;
	s21 =	simm.s32 @!p4 $0x80  }
0x1ae: {  	[tilespmem:s22], [sflag:$0x1] =	stream.indirect.gather @!p4 [hbm4b:s0+s21], $0x80, s19, s21, $0x2000b8;
	[tilespmem:$0x1FEF8] =	vst v63  }
0x1af: {  	p3 =	por p0, p0;
	_ =	swait.ge @!p0 [sflag:s18], $0x4000  }
0x1b0: {  	s19 =	sshra.s32 @!p0 s16, $0x2;
	s21 =	simm.s32 @!p0 $0x4000;
	[sflag:s18] =	ssyncset.done @!p0 $0x0  }
0x1b1: {  	s22 =	simm.s32 @!p0 $0x80;
	s19 =	sadd.s32 @!p0 $0x2100, s19;
	[sflag:s18] =	ssyncadd.s32 @!p0 $0xFFFFC000  }
0x1b2: {  	[spmem:s2] =	stream.indirect.scatter.add.f32 @!p3 [tilespmem:s21], [sflag:$0x2], $0x80, s19, s22, $0x2000b8;
	[tilespmem:$0x1FEF8] =	vst v63  }
0x1b3: {  	p4 =	sgt.u32 s20, s10;
	s18 =	simm.s32 @!p3 $0xC000  }
0x1b4: {  	[spmem:s3] =	stream.indirect.scatter.add.f32 @!p3 [tilespmem:s18], [sflag:$0x2], $0x1, s19, s22, $0x2000b8;
	[tilespmem:$0x1FEF8] =	vst v63  }
0x1b5: {  	s18 =	simm.s32 @!p4 $0x3  }
0x1b6: {  	_ =	swait.ge @!p4 [sflag:s18], $0x4000  }
0x1b7: {  	s17 =	sadd.s32 $0xFFFFFFFF, s17;
	[sflag:s18] =	ssyncset.done @!p4 $0x0  }
0x1b8: {  	p0 =	sge.u32 s17, s10;
	[sflag:s18] =	ssyncadd.s32 @!p4 $0xFFFFC000  }
0x1b9: {  	s17 =	sshra.s32 @!p0 s16, $0x2;
	_ =	swait.ge @!p4 [sflag:s18], $0x80  }
0x1ba: {  	s21 =	simm.s32 @!p0 $0x8000;
	s20 =	sadd.s32 @!p0 $0x180, s17;
	[sflag:s18] =	ssyncset.done @!p4 $0x0  }
0x1bb: {  	s19 =	simm.s32 @!p0 $0x80;
	[sflag:s18] =	ssyncadd.s32 @!p4 $0xFFFFFF80;
	s18 =	simm.s32 @!p0 $0x1  }
0x1bc: {  	[tilespmem:s21], [sflag:$0x1] =	stream.indirect.gather @!p0 [hbm4b:s0+s19], $0x80, s20, s19, $0x2000b8;
	[tilespmem:$0x1FEF8] =	vst v63  }
0x1bd: {  	_ =	swait.ge @!p0 [sflag:s18], $0x4000  }
0x1be: {  	[sflag:s18] =	ssyncset.done @!p0 $0x0  }
0x1bf: {  	s17 =	sadd.s32 @!p0 $0x2180, s17;
	[sflag:s18] =	ssyncadd.s32 @!p0 $0xFFFFC000  }
0x1c0: {  	[spmem:s2] =	stream.indirect.scatter.add.f32 @!p0 [tilespmem:s21], [sflag:$0x3], $0x80, s17, s19, $0x2000b8;
	[tilespmem:$0x1FEF8] =	vst v63  }
0x1c1: {  	s20 =	simm.s32 @!p3 $0x2;
	s18 =	simm.s32 @!p0 $0xC000  }
0x1c2: {  	[spmem:s3] =	stream.indirect.scatter.add.f32 @!p0 [tilespmem:s18], [sflag:$0x3], $0x1, s17, s19, $0x2000b8;
	[tilespmem:$0x1FEF8] =	vst v63  }
0x1c3: {  	_ =	swait.ge @!p3 [sflag:s20], $0x4000  }
0x1c4: {  	[sflag:s20] =	ssyncset.done @!p3 $0x0  }
0x1c5: {  	[sflag:s20] =	ssyncadd.s32 @!p3 $0xFFFFC000  }
0x1c6: {  	p0 =	por p5, p5;
	_ =	swait.ge @!p3 [sflag:s20], $0x80  }
0x1c7: {  	s17 =	simm.s32 @!p0 $0x4000;
	s16 =	sshra.s32 @!p0 s16, $0x2;
	[sflag:s20] =	ssyncset.done @!p3 $0x0  }
0x1c8: {  	s18 =	simm.s32 @!p0 $0x80;
	s16 =	sadd.s32 @!p0 $0x200, s16;
	[sflag:s20] =	ssyncadd.s32 @!p3 $0xFFFFFF80  }
0x1c9: {  	[tilespmem:s17], [sflag:$0x1] =	stream.indirect.gather @!p0 [hbm4b:s0+s18], $0x80, s16, s18, $0x2000b8;
	[tilespmem:$0x1FEF8] =	vst v63  }
0x1ca: {  	s18 =	simm.s32 @!p2 $0x1  }
0x1cb: {  	_ =	swait.ge @!p2 [sflag:s18], $0x4000  }
0x1cc: {  	s19 =	simm.s32 @!p2 $0x3F00;
	[sflag:s18] =	ssyncset.done @!p2 $0x0  }
0x1cd: {  	s16 =	simm.s32 @!p2 $0x80;
	s17 =	simm.s32 @!p2 $0x4000;
	[sflag:s18] =	ssyncadd.s32 @!p2 $0xFFFFC000  }
0x1ce: {  	[spmem:s2] =	stream.indirect.scatter.add.f32 @!p2 [tilespmem:s17], [sflag:$0x2], $0x80, s19, s16, $0x2000b8;
	[tilespmem:$0x1FEF8] =	vst v63  }
0x1cf: {  	s20 =	simm.s32 @!p2 $0xC000  }
0x1d0: {  	[spmem:s3] =	stream.indirect.scatter.add.f32 @!p2 [tilespmem:s20], [sflag:$0x2], $0x1, s19, s16, $0x2000b8;
	[tilespmem:$0x1FEF8] =	vst v63  }
0x1d1: {  	s19 =	simm.s32 @!p2 $0x3  }
0x1d2: {  	_ =	swait.ge @!p2 [sflag:s19], $0x4000  }
0x1d3: {  	[sflag:s19] =	ssyncset.done @!p2 $0x0  }
0x1d4: {  	[sflag:s19] =	ssyncadd.s32 @!p2 $0xFFFFC000  }
0x1d5: {  	_ =	swait.ge @!p2 [sflag:s19], $0x80  }
0x1d6: {  	[sflag:s19] =	ssyncset.done @!p2 $0x0  }
0x1d7: {  	s22 =	simm.s32 @!p2 $0x8000;
	s21 =	simm.s32 @!p2 $0x1F80;
	[sflag:s19] =	ssyncadd.s32 @!p2 $0xFFFFFF80  }
0x1d8: {  	[tilespmem:s22], [sflag:$0x1] =	stream.indirect.gather @!p2 [hbm4b:s0+s16], $0x80, s21, s16, $0x2000b8;
	[tilespmem:$0x1FEF8] =	vst v63  }
0x1d9: {  	_ =	swait.ge @!p2 [sflag:s18], $0x4000  }
0x1da: {  	[sflag:s18] =	ssyncset.done @!p2 $0x0  }
0x1db: {  	s21 =	simm.s32 @!p2 $0x3F80;
	[sflag:s18] =	ssyncadd.s32 @!p2 $0xFFFFC000  }
0x1dc: {  	[spmem:s2] =	stream.indirect.scatter.add.f32 @!p2 [tilespmem:s22], [sflag:$0x3], $0x80, s21, s16, $0x2000b8;
	[tilespmem:$0x1FEF8] =	vst v63  }
0x1dd: {  	_ = 	snop  }
0x1de: {  	[spmem:s3] =	stream.indirect.scatter.add.f32 @!p2 [tilespmem:s20], [sflag:$0x3], $0x1, s21, s16, $0x2000b8;
	[tilespmem:$0x1FEF8] =	vst v63  }
0x1df: {  	s21 =	simm.s32 @!p2 $0x2  }
0x1e0: {  	_ =	swait.ge @!p2 [sflag:s21], $0x4000  }
0x1e1: {  	[sflag:s21] =	ssyncset.done @!p2 $0x0  }
0x1e2: {  	[sflag:s21] =	ssyncadd.s32 @!p2 $0xFFFFC000  }
0x1e3: {  	_ =	swait.ge @!p2 [sflag:s21], $0x80  }
0x1e4: {  	[sflag:s21] =	ssyncset.done @!p2 $0x0  }
0x1e5: {  	[sflag:s21] =	ssyncadd.s32 @!p2 $0xFFFFFF80  }
0x1e6: {  	_ =	swait.ge @!p2 [sflag:s19], $0x4000  }
0x1e7: {  	[sflag:s19] =	ssyncset.done @!p2 $0x0  }
0x1e8: {  	[sflag:s19] =	ssyncadd.s32 @!p2 $0xFFFFC000  }
0x1e9: {  	_ =	swait.ge @!p2 [sflag:s19], $0x80  }
0x1ea: {  	[sflag:s19] =	ssyncset.done @!p2 $0x0  }
0x1eb: {  	s24 =	simm.s32 $0x0;
	s23 =	rddreg [dreg:$0xe];
	[sflag:s19] =	ssyncadd.s32 @!p2 $0xFFFFFF80  }
0x1ec: {  	[tilespmem:s24], [sflag:$0x4] =	stream.linear.gather [hbm4b:s23+s24], $0x800, $0x200038;
	[tilespmem:$0x1FEF8] =	vst v63  }
0x1ed: {  	_ =	swait.ge [sflag:s1], $0x800  }
0x1ee: {  	[sflag:s1] =	ssyncset.done $0x0  }
0x1ef: {  	s25 =	rddreg [dreg:$0xf];
	[sflag:s1] =	ssyncadd.s32 $0xFFFFF800  }
0x1f0: {  	[tilespmem:s6], [sflag:$0x4] =	stream.linear.gather [hbm4b:s25+s24], $0x800, $0x200038;
	[tilespmem:$0x1FEF8] =	vst v63  }
0x1f1: {  	_ =	swait.ge [sflag:s1], $0x800  }
0x1f2: {  	[sflag:s1] =	ssyncset.done $0x0  }
0x1f3: {  	s19 =	simm.s32 @!p2 $0x0;
	[sflag:s1] =	ssyncadd.s32 $0xFFFFF800  }
0x1f4: {  	[tilespmem:s17], [sflag:$0x1] =	stream.indirect.gather @!p2 [hbm4b:s0+s16], $0x80, s19, s16, $0x2000b8;
	[tilespmem:$0x1FEF8] =	vst v63  }
0x1f5: {  	_ =	swait.ge @!p2 [sflag:s18], $0x4000  }
0x1f6: {  	[sflag:s18] =	ssyncset.done @!p2 $0x0  }
0x1f7: {  	s19 =	simm.s32 @!p2 $0x2000;
	[sflag:s18] =	ssyncadd.s32 @!p2 $0xFFFFC000  }
0x1f8: {  	[spmem:s2] =	stream.indirect.scatter.add.f32 @!p2 [tilespmem:s17], [sflag:$0x2], $0x80, s19, s16, $0x2000b8;
	[tilespmem:$0x1FEF8] =	vst v63  }
0x1f9: {  	_ = 	snop  }
0x1fa: {  	[spmem:s3] =	stream.indirect.scatter.add.f32 @!p2 [tilespmem:s20], [sflag:$0x2], $0x1, s19, s16, $0x2000b8;
	[tilespmem:$0x1FEF8] =	vst v63  }
0x1fb: {  	_ = 	snop  }
0x1fc: {  	[tilespmem:s22], [sflag:$0x1] =	stream.indirect.gather @!p2 [hbm4b:s0+s16], $0x80, s16, s16, $0x2000b8;
	[tilespmem:$0x1FEF8] =	vst v63  }
0x1fd: {  	_ =	swait.ge @!p2 [sflag:s18], $0x4000  }
0x1fe: {  	[sflag:s18] =	ssyncset.done @!p2 $0x0  }
0x1ff: {  	[sflag:s18] =	ssyncadd.s32 @!p2 $0xFFFFC000;
	s18 =	simm.s32 @!p2 $0x2080  }
0x200: {  	[spmem:s2] =	stream.indirect.scatter.add.f32 @!p2 [tilespmem:s22], [sflag:$0x3], $0x80, s18, s16, $0x2000b8;
	[tilespmem:$0x1FEF8] =	vst v63  }
0x201: {  	_ = 	snop  }
0x202: {  	[spmem:s3] =	stream.indirect.scatter.add.f32 @!p2 [tilespmem:s20], [sflag:$0x3], $0x1, s18, s16, $0x2000b8;
	[tilespmem:$0x1FEF8] =	vst v63  }
0x203: {  	_ =	swait.ge @!p2 [sflag:s21], $0x4000  }
0x204: {  	[sflag:s21] =	ssyncset.done @!p2 $0x0  }
0x205: {  	[sflag:s21] =	ssyncadd.s32 @!p2 $0xFFFFC000  }
0x206: {  	_ =	swait.ge @!p2 [sflag:s21], $0x80  }
0x207: {  	[sflag:s21] =	ssyncset.done @!p2 $0x0  }
0x208: {  	p0 =	sle.s32 s13, $0x2;
	s18 =	simm.s32 @!p2 $0x100;
	[sflag:s21] =	ssyncadd.s32 @!p2 $0xFFFFFF80  }
0x209: {  	[tilespmem:s17], [sflag:$0x1] =	stream.indirect.gather @!p2 [hbm4b:s0+s16], $0x80, s18, s16, $0x2000b8;
	[tilespmem:$0x1FEF8] =	vst v63  }
0x20a: {  	s16 =	simm.s32 @!p0 $0x1  }
0x20b: {  	_ =	swait.ge @!p0 [sflag:s16], $0x4000  }
0x20c: {  	p3 =	por p0, p0;
	s19 =	simm.s32 @!p0 $0x80;
	[sflag:s16] =	ssyncset.done @!p0 $0x0  }
0x20d: {  	s17 =	simm.s32 @!p0 $0x4000;
	s18 =	simm.s32 @!p0 $0x2100;
	[sflag:s16] =	ssyncadd.s32 @!p0 $0xFFFFC000  }
0x20e: {  	[spmem:s2] =	stream.indirect.scatter.add.f32 @!p3 [tilespmem:s17], [sflag:$0x2], $0x80, s18, s19, $0x2000b8;
	[tilespmem:$0x1FEF8] =	vst v63  }
0x20f: {  	p4 =	slt.s32 s13, $0x2;
	s16 =	simm.s32 @!p3 $0xC000  }
0x210: {  	[spmem:s3] =	stream.indirect.scatter.add.f32 @!p3 [tilespmem:s16], [sflag:$0x2], $0x1, s18, s19, $0x2000b8;
	[tilespmem:$0x1FEF8] =	vst v63  }
0x211: {  	s16 =	simm.s32 @!p4 $0x3  }
0x212: {  	_ =	swait.ge @!p4 [sflag:s16], $0x4000  }
0x213: {  	[sflag:s16] =	ssyncset.done @!p4 $0x0  }
0x214: {  	[sflag:s16] =	ssyncadd.s32 @!p4 $0xFFFFC000  }
0x215: {  	p0 =	sle.s32 s13, $0x3;
	_ =	swait.ge @!p4 [sflag:s16], $0x80  }
0x216: {  	s17 =	simm.s32 @!p0 $0x80;
	s20 =	simm.s32 @!p0 $0x1;
	[sflag:s16] =	ssyncset.done @!p4 $0x0  }
0x217: {  	s18 =	simm.s32 @!p0 $0x180;
	s19 =	simm.s32 @!p0 $0x8000;
	[sflag:s16] =	ssyncadd.s32 @!p4 $0xFFFFFF80  }
0x218: {  	[tilespmem:s19], [sflag:$0x1] =	stream.indirect.gather @!p0 [hbm4b:s0+s17], $0x80, s18, s17, $0x2000b8;
	[tilespmem:$0x1FEF8] =	vst v63  }
0x219: {  	_ =	swait.ge @!p0 [sflag:s20], $0x4000  }
0x21a: {  	p6 =	sle.s32 s13, $0x4;
	[sflag:s20] =	ssyncset.done @!p0 $0x0  }
0x21b: {  	p5 =	sle.s32 s13, $0x6;
	s18 =	simm.s32 @!p0 $0x2180;
	[sflag:s20] =	ssyncadd.s32 @!p0 $0xFFFFC000  }
0x21c: {  	[spmem:s2] =	stream.indirect.scatter.add.f32 @!p0 [tilespmem:s19], [sflag:$0x3], $0x80, s18, s17, $0x2000b8;
	[tilespmem:$0x1FEF8] =	vst v63  }
0x21d: {  	s21 =	simm.s32 @!p3 $0x2;
	p4 =	por p6, p6;
	s19 =	simm.s32 @!p0 $0xC000  }
0x21e: {  	[spmem:s3] =	stream.indirect.scatter.add.f32 @!p0 [tilespmem:s19], [sflag:$0x3], $0x1, s18, s17, $0x2000b8;
	[tilespmem:$0x1FEF8] =	vst v63  }
0x21f: {  	s16 =	simm.s32 $0x400;
	s22 =	simm.s32 @!p4 $0x4000;
	_ =	swait.ge @!p3 [sflag:s21], $0x4000  }
0x220: {  	s23 =	simm.s32 @!p4 $0x0;
	s20 =	simm.s32 $0x4;
	[sflag:s21] =	ssyncset.done @!p3 $0x0  }
0x221: {  	s18 =	simm.s32 $0x800;
	s17 =	simm.s32 $0x6;
	[sflag:s21] =	ssyncadd.s32 @!p3 $0xFFFFC000  }
.LBB2_11:
0x222: {  	p0 =	sge.s32 s20, s13;
	_ =	swait.ge @!p3 [sflag:s21], $0x80  }
0x223: {  	s19 =	smov.u32 s16;
	s16 =	smov.u32 s18;
	s18 =	sadd.s32 $0x400, s18  }
0x224: {  	s24 =	simm.s32 @!p0 $0x1;
	s25 =	sshra.s32 @!p0 s19, $0x2;
	[sflag:s21] =	ssyncset.done @!p3 $0x0  }
0x225: {  	[sflag:s21] =	ssyncadd.s32 @!p3 $0xFFFFFF80;
	s21 =	sadd.s32 @!p4 $0x200, s23;
	s23 =	simm.s32 @!p4 $0x80  }
0x226: {  	[tilespmem:s22], [sflag:$0x1] =	stream.indirect.gather @!p4 [hbm4b:s0+s23], $0x80, s21, s23, $0x2000b8;
	[tilespmem:$0x1FEF8] =	vst v63  }
0x227: {  	p6 =	sne.s32 s18, $0x1800;
	s21 =	simm.s32 @!p0 $0x4000;
	_ =	swait.ge @!p0 [sflag:s24], $0x4000  }
0x228: {  	s22 =	sadd.s32 @!p0 $0x2100, s25;
	s23 =	simm.s32 @!p0 $0x80;
	[sflag:s24] =	ssyncset.done @!p0 $0x0  }
0x229: {  	p3 =	por p0, p0;
	p4 =	por p5, p5;
	[sflag:s24] =	ssyncadd.s32 @!p0 $0xFFFFC000  }
0x22a: {  	[spmem:s2] =	stream.indirect.scatter.add.f32 @!p3 [tilespmem:s21], [sflag:$0x2], $0x80, s22, s23, $0x2000b8;
	[tilespmem:$0x1FEF8] =	vst v63  }
0x22b: {  	p0 =	sgt.s32 s20, s13;
	s21 =	simm.s32 @!p3 $0xC000  }
0x22c: {  	[spmem:s3] =	stream.indirect.scatter.add.f32 @!p3 [tilespmem:s21], [sflag:$0x2], $0x1, s22, s23, $0x2000b8;
	[tilespmem:$0x1FEF8] =	vst v63  }
0x22d: {  	s20 =	simm.s32 @!p0 $0x3  }
0x22e: {  	_ =	swait.ge @!p0 [sflag:s20], $0x4000  }
0x22f: {  	s21 =	sadd.s32 $0xFFFFFFFF, s17;
	[sflag:s20] =	ssyncset.done @!p0 $0x0  }
0x230: {  	p5 =	sge.s32 s21, s13;
	[sflag:s20] =	ssyncadd.s32 @!p0 $0xFFFFC000  }
0x231: {  	s21 =	sshra.s32 @!p5 s19, $0x2;
	s22 =	simm.s32 @!p5 $0x80;
	_ =	swait.ge @!p0 [sflag:s20], $0x80  }
0x232: {  	s24 =	simm.s32 @!p5 $0x8000;
	s23 =	sadd.s32 @!p5 $0x180, s21;
	[sflag:s20] =	ssyncset.done @!p0 $0x0  }
0x233: {  	[sflag:s20] =	ssyncadd.s32 @!p0 $0xFFFFFF80;
	s20 =	simm.s32 @!p5 $0x1  }
0x234: {  	[tilespmem:s24], [sflag:$0x1] =	stream.indirect.gather @!p5 [hbm4b:s0+s22], $0x80, s23, s22, $0x2000b8;
	[tilespmem:$0x1FEF8] =	vst v63  }
0x235: {  	_ =	swait.ge @!p5 [sflag:s20], $0x4000  }
0x236: {  	s23 =	sadd.s32 @!p5 $0x2180, s21;
	[sflag:s20] =	ssyncset.done @!p5 $0x0  }
0x237: {  	[sflag:s20] =	ssyncadd.s32 @!p5 $0xFFFFC000;
	s20 =	simm.s32 @!p5 $0xC000  }
0x238: {  	[spmem:s2] =	stream.indirect.scatter.add.f32 @!p5 [tilespmem:s24], [sflag:$0x3], $0x80, s23, s22, $0x2000b8;
	[tilespmem:$0x1FEF8] =	vst v63  }
.Ltmp5:
0x239: {  	s21 =	simm.s32 @!p3 $0x2;
	(pc) =	sbr.rel @p6 .LBB2_11-.Ltmp5, $4  }
0x23a: {  	[spmem:s3] =	stream.indirect.scatter.add.f32 @!p5 [tilespmem:s20], [sflag:$0x3], $0x1, s23, s22, $0x2000b8;
	[tilespmem:$0x1FEF8] =	vst v63  }
0x23b: {  	s22 =	simm.s32 @!p4 $0x4000;
	_ =	swait.ge @!p3 [sflag:s21], $0x4000  }
0x23c: {  	s17 =	sadd.s32 $0x2, s17;
	s23 =	sshra.s32 @!p4 s19, $0x2;
	[sflag:s21] =	ssyncset.done @!p3 $0x0  }
0x23d: {  	s20 =	sadd.s32 $0xFFFFFFFE, s17;
	p5 =	sge.s32 s17, s13;
	[sflag:s21] =	ssyncadd.s32 @!p3 $0xFFFFC000  }
0x23e: {  	_ =	swait.ge @!p3 [sflag:s21], $0x80  }
0x23f: {  	p0 =	sge.s32 s20, s13;
	s19 =	sadd.s32 @!p4 $0x200, s23;
	[sflag:s21] =	ssyncset.done @!p3 $0x0  }
0x240: {  	s18 =	simm.s32 @!p0 $0x1;
	[sflag:s21] =	ssyncadd.s32 @!p3 $0xFFFFFF80;
	s21 =	simm.s32 @!p4 $0x80  }
0x241: {  	[tilespmem:s22], [sflag:$0x1] =	stream.indirect.gather @!p4 [hbm4b:s0+s21], $0x80, s19, s21, $0x2000b8;
	[tilespmem:$0x1FEF8] =	vst v63  }
0x242: {  	p3 =	por p0, p0;
	_ =	swait.ge @!p0 [sflag:s18], $0x4000  }
0x243: {  	s19 =	sshra.s32 @!p0 s16, $0x2;
	s21 =	simm.s32 @!p0 $0x4000;
	[sflag:s18] =	ssyncset.done @!p0 $0x0  }
0x244: {  	s22 =	simm.s32 @!p0 $0x80;
	s19 =	sadd.s32 @!p0 $0x2100, s19;
	[sflag:s18] =	ssyncadd.s32 @!p0 $0xFFFFC000  }
0x245: {  	[spmem:s2] =	stream.indirect.scatter.add.f32 @!p3 [tilespmem:s21], [sflag:$0x2], $0x80, s19, s22, $0x2000b8;
	[tilespmem:$0x1FEF8] =	vst v63  }
0x246: {  	p4 =	sgt.s32 s20, s13;
	s18 =	simm.s32 @!p3 $0xC000  }
0x247: {  	[spmem:s3] =	stream.indirect.scatter.add.f32 @!p3 [tilespmem:s18], [sflag:$0x2], $0x1, s19, s22, $0x2000b8;
	[tilespmem:$0x1FEF8] =	vst v63  }
0x248: {  	s18 =	simm.s32 @!p4 $0x3  }
0x249: {  	_ =	swait.ge @!p4 [sflag:s18], $0x4000  }
0x24a: {  	s17 =	sadd.s32 $0xFFFFFFFF, s17;
	[sflag:s18] =	ssyncset.done @!p4 $0x0  }
0x24b: {  	p0 =	sge.s32 s17, s13;
	[sflag:s18] =	ssyncadd.s32 @!p4 $0xFFFFC000  }
0x24c: {  	s17 =	sshra.s32 @!p0 s16, $0x2;
	_ =	swait.ge @!p4 [sflag:s18], $0x80  }
0x24d: {  	s21 =	simm.s32 @!p0 $0x8000;
	s20 =	sadd.s32 @!p0 $0x180, s17;
	[sflag:s18] =	ssyncset.done @!p4 $0x0  }
0x24e: {  	s19 =	simm.s32 @!p0 $0x80;
	[sflag:s18] =	ssyncadd.s32 @!p4 $0xFFFFFF80;
	s18 =	simm.s32 @!p0 $0x1  }
0x24f: {  	[tilespmem:s21], [sflag:$0x1] =	stream.indirect.gather @!p0 [hbm4b:s0+s19], $0x80, s20, s19, $0x2000b8;
	[tilespmem:$0x1FEF8] =	vst v63  }
0x250: {  	_ =	swait.ge @!p0 [sflag:s18], $0x4000  }
0x251: {  	[sflag:s18] =	ssyncset.done @!p0 $0x0  }
0x252: {  	s17 =	sadd.s32 @!p0 $0x2180, s17;
	[sflag:s18] =	ssyncadd.s32 @!p0 $0xFFFFC000  }
0x253: {  	[spmem:s2] =	stream.indirect.scatter.add.f32 @!p0 [tilespmem:s21], [sflag:$0x3], $0x80, s17, s19, $0x2000b8;
	[tilespmem:$0x1FEF8] =	vst v63  }
0x254: {  	s20 =	simm.s32 @!p3 $0x2;
	s18 =	simm.s32 @!p0 $0xC000  }
0x255: {  	[spmem:s3] =	stream.indirect.scatter.add.f32 @!p0 [tilespmem:s18], [sflag:$0x3], $0x1, s17, s19, $0x2000b8;
	[tilespmem:$0x1FEF8] =	vst v63  }
0x256: {  	_ =	swait.ge @!p3 [sflag:s20], $0x4000  }
0x257: {  	[sflag:s20] =	ssyncset.done @!p3 $0x0  }
0x258: {  	[sflag:s20] =	ssyncadd.s32 @!p3 $0xFFFFC000  }
0x259: {  	s23 =	smov.u32 s28;
	p0 =	por p5, p5;
	_ =	swait.ge @!p3 [sflag:s20], $0x80  }
0x25a: {  	s22 =	smov.u32 s26;
	s17 =	simm.s32 @!p0 $0x4000;
	s25 =	sld [smem:$0x7FD]  }
.Ltmp6:
0x25b: {  	s16 =	sshra.s32 @!p0 s16, $0x2;
	s24 =	rddreg [dreg:$0x10];
	(pc) =	sbr.rel @p2 .LBB2_15-.Ltmp6, $4  }
0x25c: {  	s18 =	simm.s32 @!p0 $0x80;
	[sflag:s20] =	ssyncset.done @!p3 $0x0;
	s26 =	rddreg [dreg:$0x12]  }
0x25d: {  	s16 =	sadd.s32 @!p0 $0x200, s16;
	s28 =	rddreg [dreg:$0x13];
	[sflag:s20] =	ssyncadd.s32 @!p3 $0xFFFFFF80  }
0x25e: {  	[tilespmem:s17], [sflag:$0x1] =	stream.indirect.gather @!p0 [hbm4b:s0+s18], $0x80, s16, s18, $0x2000b8;
	[tilespmem:$0x1FEF8] =	vst v63  }
0x25f: {  	s21 =	stileid.u32;
	p3 =	seq.s32 s25, $0x1;
	s25 =	rddreg [dreg:$0x11]  }
0x260: {  	_ =	swait.ge [sflag:s8], $0x4000  }
0x261: {  	[sflag:s8] =	ssyncset.done $0x0  }
0x262: {  	s16 =	simm.s32 $0x2700;
	[sflag:s8] =	ssyncadd.s32 $0xFFFFC000  }
0x263: {  	[spmem:s2] =	stream.indirect.scatter.add.f32 [tilespmem:s31], [sflag:$0x2], $0x80, s16, s7, $0x2000b8;
	[tilespmem:$0x1FEF8] =	vst v63  }
0x264: {  	_ = 	snop  }
0x265: {  	[spmem:s3] =	stream.indirect.scatter.add.f32 [tilespmem:s9], [sflag:$0x2], $0x1, s16, s7, $0x2000b8;
	[tilespmem:$0x1FEF8] =	vst v63  }
0x266: {  	_ =	swait.ge [sflag:s15], $0x4000  }
0x267: {  	[sflag:s15] =	ssyncset.done $0x0  }
0x268: {  	[sflag:s15] =	ssyncadd.s32 $0xFFFFC000  }
0x269: {  	_ =	swait.ge [sflag:s15], $0x80  }
0x26a: {  	[sflag:s15] =	ssyncset.done $0x0  }
0x26b: {  	s19 =	simm.s32 $0x780;
	[sflag:s15] =	ssyncadd.s32 $0xFFFFFF80  }
0x26c: {  	[tilespmem:s11], [sflag:$0x1] =	stream.indirect.gather [hbm4b:s0+s7], $0x80, s19, s7, $0x2000b8;
	[tilespmem:$0x1FEF8] =	vst v63  }
0x26d: {  	_ =	swait.ge [sflag:s8], $0x4000  }
0x26e: {  	[sflag:s8] =	ssyncset.done $0x0  }
0x26f: {  	s20 =	simm.s32 $0x2780;
	[sflag:s8] =	ssyncadd.s32 $0xFFFFC000  }
0x270: {  	[spmem:s2] =	stream.indirect.scatter.add.f32 [tilespmem:s11], [sflag:$0x3], $0x80, s20, s7, $0x2000b8;
	[tilespmem:$0x1FEF8] =	vst v63  }
0x271: {  	_ = 	snop  }
0x272: {  	[spmem:s3] =	stream.indirect.scatter.add.f32 [tilespmem:s9], [sflag:$0x3], $0x1, s20, s7, $0x2000b8;
	[tilespmem:$0x1FEF8] =	vst v63  }
0x273: {  	_ =	swait.ge [sflag:s14], $0x4000  }
.Ltmp7:
0x274: {  	[sflag:s14] =	ssyncset.done $0x0;
	(pc) =	sbr.rel .LBB2_14-.Ltmp7, $4  }
0x275: {  	[sflag:s14] =	ssyncadd.s32 $0xFFFFC000  }
0x276: {  	_ =	swait.ge [sflag:s14], $0x80  }
0x277: {  	[sflag:s14] =	ssyncset.done $0x0  }
0x278: {  	[sflag:s14] =	ssyncadd.s32 $0xFFFFFF80  }
.LBB2_4:
0x279: {  	s16 =	rddreg [dreg:$0x8];
	s17 =	simm.s32 $0x0  }
0x27a: {  	[tilespmem:s17], [sflag:$0x4] =	stream.linear.gather [hbm4b:s16+s17], $0x2000, $0x200038;
	[tilespmem:$0x1FEF8] =	vst v63  }
0x27b: {  	_ =	swait.ge [sflag:s1], $0x2000  }
0x27c: {  	[sflag:s1] =	ssyncset.done $0x0  }
0x27d: {  	s18 =	rddreg [dreg:$0x9];
	[sflag:s1] =	ssyncadd.s32 $0xFFFFE000  }
0x27e: {  	[tilespmem:s6], [sflag:$0x4] =	stream.linear.gather [hbm4b:s18+s17], $0x2000, $0x200038;
	[tilespmem:$0x1FEF8] =	vst v63  }
0x27f: {  	_ =	swait.ge [sflag:s1], $0x2000  }
0x280: {  	[sflag:s1] =	ssyncset.done $0x0  }
0x281: {  	[sflag:s1] =	ssyncadd.s32 $0xFFFFE000  }
0x282: {  	[tilespmem:s31], [sflag:$0x1] =	stream.indirect.gather [hbm4b:s0+s7], $0x80, s17, s7, $0x2000b8;
	[tilespmem:$0x1FEF8] =	vst v63  }
0x283: {  	_ =	swait.ge [sflag:s8], $0x4000  }
0x284: {  	[sflag:s8] =	ssyncset.done $0x0  }
0x285: {  	[sflag:s8] =	ssyncadd.s32 $0xFFFFC000  }
0x286: {  	[spmem:s2] =	stream.indirect.scatter.add.f32 [tilespmem:s31], [sflag:$0x2], $0x80, s6, s7, $0x2000b8;
	[tilespmem:$0x1FEF8] =	vst v63  }
0x287: {  	_ = 	snop  }
0x288: {  	[spmem:s3] =	stream.indirect.scatter.add.f32 [tilespmem:s9], [sflag:$0x2], $0x1, s6, s7, $0x2000b8;
	[tilespmem:$0x1FEF8] =	vst v63  }
0x289: {  	_ = 	snop  }
0x28a: {  	[tilespmem:s11], [sflag:$0x1] =	stream.indirect.gather [hbm4b:s0+s7], $0x80, s7, s7, $0x2000b8;
	[tilespmem:$0x1FEF8] =	vst v63  }
0x28b: {  	_ =	swait.ge [sflag:s8], $0x4000  }
0x28c: {  	[sflag:s8] =	ssyncset.done $0x0  }
0x28d: {  	s19 =	simm.s32 $0x2080;
	[sflag:s8] =	ssyncadd.s32 $0xFFFFC000  }
0x28e: {  	[spmem:s2] =	stream.indirect.scatter.add.f32 [tilespmem:s11], [sflag:$0x3], $0x80, s19, s7, $0x2000b8;
	[tilespmem:$0x1FEF8] =	vst v63  }
0x28f: {  	_ = 	snop  }
0x290: {  	[spmem:s3] =	stream.indirect.scatter.add.f32 [tilespmem:s9], [sflag:$0x3], $0x1, s19, s7, $0x2000b8;
	[tilespmem:$0x1FEF8] =	vst v63  }
0x291: {  	_ =	swait.ge [sflag:s14], $0x4000  }
0x292: {  	[sflag:s14] =	ssyncset.done $0x0  }
0x293: {  	[sflag:s14] =	ssyncadd.s32 $0xFFFFC000  }
0x294: {  	_ =	swait.ge [sflag:s14], $0x80  }
0x295: {  	[sflag:s14] =	ssyncset.done $0x0  }
0x296: {  	s20 =	simm.s32 $0x100;
	s16 =	simm.s32 $0xFFFF8800;
	[sflag:s14] =	ssyncadd.s32 $0xFFFFFF80  }
0x297: {  	[tilespmem:s31], [sflag:$0x1] =	stream.indirect.gather [hbm4b:s0+s7], $0x80, s20, s7, $0x2000b8;
	[tilespmem:$0x1FEF8] =	vst v63  }
.LBB2_5:
0x298: {  	_ =	swait.ge [sflag:s8], $0x4000  }
0x299: {  	s17 =	sshra.s32 s16, $0x2;
	[sflag:s8] =	ssyncset.done $0x0  }
0x29a: {  	s18 =	sadd.s32 $0x3F00, s17;
	[sflag:s8] =	ssyncadd.s32 $0xFFFFC000  }
0x29b: {  	[spmem:s2] =	stream.indirect.scatter.add.f32 [tilespmem:s31], [sflag:$0x2], $0x80, s18, s7, $0x2000b8;
	[tilespmem:$0x1FEF8] =	vst v63  }
0x29c: {  	_ = 	snop  }
0x29d: {  	[spmem:s3] =	stream.indirect.scatter.add.f32 [tilespmem:s9], [sflag:$0x2], $0x1, s18, s7, $0x2000b8;
	[tilespmem:$0x1FEF8] =	vst v63  }
0x29e: {  	_ =	swait.ge [sflag:s15], $0x4000  }
0x29f: {  	[sflag:s15] =	ssyncset.done $0x0  }
0x2a0: {  	[sflag:s15] =	ssyncadd.s32 $0xFFFFC000  }
0x2a1: {  	_ =	swait.ge [sflag:s15], $0x80  }
0x2a2: {  	[sflag:s15] =	ssyncset.done $0x0  }
0x2a3: {  	s19 =	sadd.s32 $0x1F80, s17;
	[sflag:s15] =	ssyncadd.s32 $0xFFFFFF80  }
0x2a4: {  	[tilespmem:s11], [sflag:$0x1] =	stream.indirect.gather [hbm4b:s0+s7], $0x80, s19, s7, $0x2000b8;
	[tilespmem:$0x1FEF8] =	vst v63  }
0x2a5: {  	_ =	swait.ge [sflag:s8], $0x4000  }
0x2a6: {  	[sflag:s8] =	ssyncset.done $0x0  }
0x2a7: {  	s20 =	sadd.s32 $0x3F80, s17;
	[sflag:s8] =	ssyncadd.s32 $0xFFFFC000  }
0x2a8: {  	[spmem:s2] =	stream.indirect.scatter.add.f32 [tilespmem:s11], [sflag:$0x3], $0x80, s20, s7, $0x2000b8;
	[tilespmem:$0x1FEF8] =	vst v63  }
0x2a9: {  	_ = 	snop  }
0x2aa: {  	[spmem:s3] =	stream.indirect.scatter.add.f32 [tilespmem:s9], [sflag:$0x3], $0x1, s20, s7, $0x2000b8;
	[tilespmem:$0x1FEF8] =	vst v63  }
0x2ab: {  	p0 =	seq.s32 s16, $0x0;
	_ =	swait.ge [sflag:s14], $0x4000  }
.Ltmp8:
0x2ac: {  	[sflag:s14] =	ssyncset.done $0x0;
	(pc) =	sbr.rel @p0 .LBB2_7-.Ltmp8, $4  }
0x2ad: {  	[sflag:s14] =	ssyncadd.s32 $0xFFFFC000  }
0x2ae: {  	_ =	swait.ge [sflag:s14], $0x80  }
0x2af: {  	[sflag:s14] =	ssyncset.done $0x0  }
0x2b0: {  	[sflag:s14] =	ssyncadd.s32 $0xFFFFFF80  }
.Ltmp9:
0x2b1: {  	(pc) =	sbr.rel .LBB2_5-.Ltmp9, $3  }
0x2b2: {  	_ =	sdelay $0x1  }
0x2b3: {  	s17 =	sadd.s32 $0x2000, s17;
	s16 =	sadd.s32 $0x400, s16  }
0x2b4: {  	[tilespmem:s31], [sflag:$0x1] =	stream.indirect.gather [hbm4b:s0+s7], $0x80, s17, s7, $0x2000b8;
	[tilespmem:$0x1FEF8] =	vst v63  }
.LBB2_16:
0x2b5: {  	_ =	sfence.sel $0x180000  }
0x2b6: {  	[bflag:$0x0] =	sbarrier.arrive $0xFFFF  }
0x2b7: {  	_ =	strace $0x90000047  }
0x2b8: {  	[bflag:$0x2] =	sbarrier.arrive $0xFFFF  }
0x2b9: {  	s0 =	rddreg [dreg:$0x7]  }
0x2ba: {  	s0 =	sadd.s32 @!p1 $0x100000, s0  }
0x2bb: {  	[sflag:s0] =	ssyncadd.tile.s32 @!p1 $0x1;
	_ =	shalt  }
.Lfunc_end2:
_tile_overlayer_lowered:
.L_overlay_start_2:
0x2bc: {  	(tag) =	ssettag $0x2  }
0x2bd: {  	s0 =	rddreg [dreg:$0x0];
	s2 =	stileid.u32  }
0x2be: {  	s1 =	rddreg [dreg:$0x1];
	p0 =	sne.s32 s2, $0x0  }
0x2bf: {  	s3 =	rddreg [dreg:$0x2];
	[bflag:$0x3] =	sbarrier.arrive $0xFFFF;
	s2 =	simm.s32 @!p0 $0x1C04  }
0x2c0: {  	[timem:s3], [sflag:s2] =	dma.local @!p0 [hbm:s0], s1  }
0x2c1: {  	s0 =	simm.s32 @!p0 $0x4  }
0x2c2: {  	_ =	swait.ge @!p0 [sflag:s0], s1  }
0x2c3: {  	s1 =	ssub.s32 @!p0 $0x0, s1;
	[sflag:s0] =	ssyncset.done @!p0 $0x0  }
0x2c4: {  	[sflag:s0] =	ssyncadd.s32 @!p0 s1  }
0x2c5: {  	[bflag:$0x3] =	sbarrier.arrive $0xFFFF  }
0x2c6: {  	_ =	shalt  }

</sc_bundles>
